<compile_context>
chip_gen: v7x
topology: tpu7x:2x2x1
jax: 0.10.2.dev20260603
libtpu: 0.0.44.dev20260713+nightly
codegen_flags: <defaults>
</compile_context>

<pallas_src>
import functools

import jax
import jax.numpy as jnp
from jax.experimental import pallas as pl
from jax.experimental.pallas import tpu as pltpu
from jax.experimental.pallas import tpu_sc as plsc

_MT = 4096
_NT = 1024
_GW = 128
_FW = 128
_SCH = 512


def _argmin_body(
    nc_tiles,
    x_ref,
    c_ref,
    idx_ref,
    loss_ref,
    minv_ref,
    mini_ref,
    xn_ref,
    cn_ref,
    x2_ref,
):
    i = pl.program_id(0)
    j = pl.program_id(1)
    c = c_ref[...]

    @pl.when(j == 0)
    def _():
        x = x_ref[...]
        xn_ref[...] = jnp.sum(x * x, axis=1, keepdims=True)
        x2_ref[...] = x + x
        minv_ref[...] = jnp.full((_MT, _FW), jnp.inf, jnp.float32)

    @pl.when(i == 0)
    def _():
        cn_ref[j, :] = jnp.sum(c * c, axis=1)

    cnorm = cn_ref[j, :]
    jbase = jnp.float32(j * _NT)

    for t in range(_MT // _SCH):
        sl = slice(t * _SCH, (t + 1) * _SCH)
        prod2 = jax.lax.dot_general(
            x2_ref[sl, :], c, (((1,), (1,)), ((), ())),
            preferred_element_type=jnp.float32,
        )
        d = (xn_ref[sl, :] + cnorm[None, :]) - prod2

        v = d
        off = None
        half = _NT // 2
        while half >= _FW:
            lo = v[:, :half]
            hi = v[:, half:]
            take = hi < lo
            if off is None:
                off = jnp.where(take, jnp.float32(half), jnp.float32(0.0))
            else:
                off = jnp.where(
                    take, off[:, half:] + jnp.float32(half), off[:, :half]
                )
            v = jnp.minimum(lo, hi)
            half //= 2
        base = off + jbase

        prev_v = minv_ref[sl, :]
        take2 = v < prev_v
        minv_ref[sl, :] = jnp.minimum(v, prev_v)
        mini_ref[sl, :] = jnp.where(take2, base, mini_ref[sl, :])

    @pl.when(j == nc_tiles - 1)
    def _():
        vv = minv_ref[...]
        best = jnp.min(vv, axis=1)
        full_idx = mini_ref[...] + jax.lax.broadcasted_iota(
            jnp.int32, (_MT, _FW), 1
        ).astype(jnp.float32)
        cand = jnp.where(vv == best[:, None], full_idx, jnp.float32(2.0**30))
        idx_ref[...] = jnp.min(cand, axis=1, keepdims=True).astype(jnp.int32)
        tile_loss = jnp.sum(best)
        prev = jnp.where(i == 0, 0.0, loss_ref[0, 0])
        loss_ref[0, 0] = prev + tile_loss


def _tc_argmin(flat, codebook):
    m, k = flat.shape
    nc = codebook.shape[0]
    m_tiles, nc_tiles = m // _MT, nc // _NT
    idx, loss_sum = pl.pallas_call(
        functools.partial(_argmin_body, nc_tiles),
        grid=(m_tiles, nc_tiles),
        in_specs=[
            pl.BlockSpec((_MT, k), lambda i, j: (i, 0)),
            pl.BlockSpec((_NT, k), lambda i, j: (j, 0)),
        ],
        out_specs=[
            pl.BlockSpec((_MT, 1), lambda i, j: (i, 0)),
            pl.BlockSpec(memory_space=pltpu.SMEM),
        ],
        out_shape=[
            jax.ShapeDtypeStruct((m, 1), jnp.int32),
            jax.ShapeDtypeStruct((1, 1), jnp.float32),
        ],
        scratch_shapes=[
            pltpu.VMEM((_MT, _FW), jnp.float32),
            pltpu.VMEM((_MT, _FW), jnp.float32),
            pltpu.VMEM((_MT, 1), jnp.float32),
            pltpu.VMEM((nc_tiles, _NT), jnp.float32),
            pltpu.VMEM((_MT, k), jnp.float32),
        ],
    )(flat, codebook)
    return idx.reshape(m), loss_sum[0, 0]


def _sc_gather(codebook, indices):
    t = indices.shape[0]
    k = codebook.shape[1]
    idx2 = indices.reshape(1, t)
    mesh = plsc.VectorSubcoreMesh(core_axis_name="core", subcore_axis_name="subcore")

    @functools.partial(
        pl.kernel,
        out_type=jax.ShapeDtypeStruct((t, k), codebook.dtype),
        mesh=mesh,
    )
    def gather_kernel(x_hbm, i_hbm, o_hbm):
        def body(i_vmem, o_vmem):
            pltpu.sync_copy(x_hbm.at[i_vmem.at[0]], o_vmem)

        pltpu.emit_pipeline(
            body,
            grid=(t // _GW,),
            in_specs=[pl.BlockSpec((1, _GW), index_map=lambda i: (0, i))],
            out_specs=[pl.BlockSpec((_GW, k), index_map=lambda i: (i, 0))],
            core_axis_name=("core", "subcore"),
            dimension_semantics=(pltpu.PARALLEL,),
        )(i_hbm, o_hbm)

    return gather_kernel(codebook, idx2)


def kernel(z_e, codebook):
    n, c, d, h, w = z_e.shape
    t = n * d * h * w
    flat = jnp.transpose(z_e, (0, 2, 3, 4, 1)).reshape(t, c)
    indices, loss_sum = _tc_argmin(flat, codebook)
    z_q_flat = _sc_gather(codebook, indices)
    vq_loss = 0.5 * loss_sum / (t * c)
    z_q = jnp.transpose(z_q_flat.reshape(n, d, h, w, c), (0, 4, 1, 2, 3))
    return (z_q, vq_loss, indices.reshape(n, d, h, w))

# --- scband reference (transcript-rebuilt; emitter-appended) ---
"""Pipeline reference for scband-vector-quantizer-ema-8022998909243 (READ-ONLY COPY).

The authoritative reference and input builder live on the scoring server;
editing this copy changes nothing except your own understanding.
"""

import jax, jax.numpy as jnp
import numpy as np

NUM_CODES = 8192
LATENT_DIM = 256
COMMITMENT_COST = 0.5


def setup_inputs(seed: int = 0) -> dict:
    key = jax.random.key(seed)
    k1, k2 = jax.random.split(key)
    z_e = jax.random.normal(k1, (4, 256, 4, 16, 16), dtype=jnp.float32)
    codebook = jax.random.normal(k2, (NUM_CODES, LATENT_DIM), dtype=jnp.float32)
    return {"z_e": z_e, "codebook": codebook}


def reference(z_e, codebook):
    # permute NCDHW -> NDHWC and flatten to tokens
    z_e_perm = jnp.transpose(z_e, (0, 2, 3, 4, 1))
    flat = z_e_perm.reshape(-1, codebook.shape[1])
    # squared L2 distances to every code: ||x||^2 + ||c||^2 - 2 x.c
    d = (jnp.sum(flat ** 2, axis=1, keepdims=True)
         + jnp.sum(codebook ** 2, axis=1)
         - 2.0 * (flat @ codebook.T))
    indices = jnp.argmin(d, axis=1)
    z_q_flat = jnp.take(codebook, indices, axis=0)
    z_q_perm = z_q_flat.reshape(z_e_perm.shape)
    commitment_loss = jnp.mean((z_e_perm - jax.lax.stop_gradient(z_q_perm)) ** 2)
    vq_loss = COMMITMENT_COST * commitment_loss
    # straight-through estimator
    z_q_st = z_e_perm + jax.lax.stop_gradient(z_q_perm - z_e_perm)
    z_q = jnp.transpose(z_q_st, (0, 4, 1, 2, 3))
    return (z_q, vq_loss, indices.reshape(z_e_perm.shape[:-1]))

if __name__ == "__main__":
    import jax
    _d = setup_inputs()
    print(jax.jit(kernel)(*tuple(_d.values())))

</pallas_src>

<mosaic_0001>
#map = affine_map<(d0, d1) -> (0, 0)>
module attributes {stable_mosaic.version = 14 : i64} {
  func.func @gather_kernel(%arg0: i32, %arg1: i32, %arg2: memref<8192x256xf32, #tpu.memory_space<hbm>>, %arg3: memref<1x4096xi32, #tpu.memory_space<hbm>>, %arg4: memref<4096x256xf32, #tpu.memory_space<hbm>>) attributes {dimension_semantics = [#tpu.dimension_semantics<core_parallel>, #tpu.dimension_semantics<subcore_parallel>], iteration_bounds = array<i64: 2, 16>, scalar_prefetch = 0 : i64, scratch_operands = 0 : i64, tpu.core_type = #tpu.core_type<sc_vector_subcore>, window_params = [{transform_indices = #map}, {transform_indices = #map}, {transform_indices = #map}]} {
    %mul3A = arith.constant 1 : i32
    %mul3A_0 = arith.muli %arg1, %mul3A : i32
    %add3A = arith.constant 0 : i32
    %add3A_1 = arith.addi %add3A, %mul3A_0 : i32
    %mul3A_2 = arith.constant 16 : i32
    %mul3A_3 = arith.muli %arg0, %mul3A_2 : i32
    %add3A_4 = arith.addi %add3A_1, %mul3A_3 : i32
    %mul3A_5 = arith.constant 1 : i32
    %mul3A_6 = arith.muli %add3A_4, %mul3A_5 : i32
    "tpu.region"() ({
      %run_scoped3A = memref.alloca() : memref<2x1x128xi32, #tpu.memory_space<vmem>>
      %run_scoped3A_7 = tpu.sem_alloc : memref<2x!tpu.dma_semaphore, #tpu.memory_space<semaphore_mem>>
      %run_scoped3A_8 = memref.alloca() : memref<2x128x256xf32, #tpu.memory_space<vmem>>
      %run_scoped3A_9 = tpu.sem_alloc : memref<2x!tpu.dma_semaphore, #tpu.memory_space<semaphore_mem>>
      %add3A_10 = arith.constant 0 : i32
      %add3A_11 = arith.addi %add3A_10, %mul3A_6 : i32
      %select_n3A = arith.constant true
      %select_n3A_12 = arith.constant 0 : i32
      %select_n3A_13 = arith.constant -1 : i32
      %select_n3A_14 = arith.select %select_n3A, %select_n3A_13, %select_n3A_12 : i32
      %eq3A = arith.constant -1 : i32
      %eq3A_15 = arith.cmpi eq, %select_n3A_14, %eq3A : i32
      %select_n3A_16 = arith.constant 0 : i32
      %select_n3A_17 = arith.select %eq3A_15, %select_n3A_16, %select_n3A_14 : i32
      %add3A_18 = arith.constant 0 : i32
      %add3A_19 = arith.addi %add3A_18, %mul3A_6 : i32
      %select_n3A_20 = arith.constant true
      %select_n3A_21 = arith.constant 0 : i32
      %select_n3A_22 = arith.constant 1 : i32
      %select_n3A_23 = arith.select %select_n3A_20, %select_n3A_22, %select_n3A_21 : i32
      %eq3A_24 = arith.constant 1 : i32
      %eq3A_25 = arith.cmpi eq, %select_n3A_23, %eq3A_24 : i32
      %select_n3A_26 = arith.constant 0 : i32
      %select_n3A_27 = arith.select %eq3A_25, %select_n3A_26, %select_n3A_23 : i32
      %add3A_28 = arith.constant 0 : i32
      %add3A_29 = arith.addi %add3A_28, %mul3A_6 : i32
      %select_n3A_30 = arith.constant true
      %select_n3A_31 = arith.constant 0 : i32
      %select_n3A_32 = arith.constant 1 : i32
      %select_n3A_33 = arith.select %select_n3A_30, %select_n3A_32, %select_n3A_31 : i32
      %eq3A_34 = arith.constant 1 : i32
      %eq3A_35 = arith.cmpi eq, %select_n3A_33, %eq3A_34 : i32
      %select_n3A_36 = arith.constant 0 : i32
      %select_n3A_37 = arith.select %eq3A_35, %select_n3A_36, %select_n3A_33 : i32
      %add3A_38 = arith.constant 0 : i32
      %add3A_39 = arith.addi %add3A_38, %mul3A_6 : i32
      "tpu.trace_start"() <{level = 10 : i32, message = "ep_initialize_0"}> : () -> ()
      %rem3A = arith.constant 0 : i32
      %rem3A_40 = arith.constant 2 : i32
      %rem3A_41 = arith.remui %rem3A, %rem3A_40 : i32
      %mul3A_42 = arith.constant 128 : i32
      %mul3A_43 = arith.muli %mul3A_42, %add3A_11 : i32
      %dma_start3A = arith.constant 0 : i32
      %dma_start3A_44 = arith.constant 0 : i32
      %dma_start3A_45 = tpu.memref_slice %run_scoped3A[%rem3A_41, %dma_start3A, %dma_start3A_44] : memref<2x1x128xi32, #tpu.memory_space<vmem>> -> memref<1x1x128xi32, #tpu.memory_space<vmem>>
      %dma_start3A_46 = tpu.memref_squeeze %dma_start3A_45 : memref<1x1x128xi32, #tpu.memory_space<vmem>> -> memref<1x128xi32, #tpu.memory_space<vmem>>
      %dma_start3A_47 = arith.constant 0 : i32
      %dma_start3A_48 = tpu.memref_slice %arg3[%dma_start3A_47, %mul3A_43] : memref<1x4096xi32, #tpu.memory_space<hbm>> -> memref<1x128xi32, #tpu.memory_space<hbm>>
      %dma_start3A_49 = tpu.memref_slice %run_scoped3A_7[%rem3A_41] : memref<2x!tpu.dma_semaphore, #tpu.memory_space<semaphore_mem>> -> memref<1x!tpu.dma_semaphore, #tpu.memory_space<semaphore_mem>>
      %dma_start3A_50 = tpu.memref_squeeze %dma_start3A_49 : memref<1x!tpu.dma_semaphore, #tpu.memory_space<semaphore_mem>> -> memref<!tpu.dma_semaphore, #tpu.memory_space<semaphore_mem>>
      %dma_start3A_51 = arith.constant 0 : i32
      %dma_start3A_52 = arith.constant 0 : i32
      %dma_start3A_53 = tpu.memref_slice %run_scoped3A[%rem3A_41, %dma_start3A_51, %dma_start3A_52] : memref<2x1x128xi32, #tpu.memory_space<vmem>> -> memref<1x1x128xi32, #tpu.memory_space<vmem>>
      %dma_start3A_54 = tpu.memref_squeeze %dma_start3A_53 : memref<1x1x128xi32, #tpu.memory_space<vmem>> -> memref<1x128xi32, #tpu.memory_space<vmem>>
      %dma_start3A_55 = arith.constant 0 : i32
      %dma_start3A_56 = tpu.memref_slice %arg3[%dma_start3A_55, %mul3A_43] : memref<1x4096xi32, #tpu.memory_space<hbm>> -> memref<1x128xi32, #tpu.memory_space<hbm>>
      tpu.enqueue_dma source(%dma_start3A_56 : memref<1x128xi32, #tpu.memory_space<hbm>>) target(%dma_start3A_54 : memref<1x128xi32, #tpu.memory_space<vmem>>) target_semaphore(%dma_start3A_50 : memref<!tpu.dma_semaphore, #tpu.memory_space<semaphore_mem>>)
      %add3A_57 = arith.constant 0 : i32
      %add3A_58 = arith.constant 1 : i32
      %add3A_59 = arith.addi %add3A_57, %add3A_58 : i32
      %select_n3A_60 = arith.constant true
      %select_n3A_61 = arith.constant 0 : i32
      %select_n3A_62 = arith.select %select_n3A_60, %add3A_59, %select_n3A_61 : i32
      "tpu.trace_stop"() : () -> ()
      %scan3A = arith.constant 0 : i32
      %scan3A_63 = arith.constant 0 : i32
      %scan3A_64 = arith.constant 0 : i32
      %scan3A_65 = arith.constant 0 : i32
      %scan3A_66 = arith.constant 0 : i32
      %eq3A_67 = arith.constant 0 : i32
      %eq3A_68 = arith.cmpi eq, %scan3A_66, %eq3A_67 : i32
      %eq3A_69 = arith.constant 0 : i32
      %eq3A_70 = arith.cmpi eq, %scan3A_66, %eq3A_69 : i32
      %add3A_71 = arith.constant 0 : i32
      %add3A_72 = arith.addi %add3A_71, %mul3A_6 : i32
      %select_n3A_73 = arith.constant true
      %select_n3A_74 = arith.constant 0 : i32
      %select_n3A_75 = arith.constant -1 : i32
      %select_n3A_76 = arith.select %select_n3A_73, %select_n3A_75, %select_n3A_74 : i32
      %eq3A_77 = arith.constant -1 : i32
      %eq3A_78 = arith.cmpi eq, %select_n3A_76, %eq3A_77 : i32
      %select_n3A_79 = arith.constant 0 : i32
      %select_n3A_80 = arith.select %eq3A_78, %select_n3A_79, %select_n3A_76 : i32
      %add3A_81 = arith.constant 0 : i32
      %add3A_82 = arith.addi %add3A_81, %mul3A_6 : i32
      %select_n3A_83 = arith.constant true
      %select_n3A_84 = arith.constant 0 : i32
      %select_n3A_85 = arith.constant 1 : i32
      %select_n3A_86 = arith.select %select_n3A_83, %select_n3A_85, %select_n3A_84 : i32
      %eq3A_87 = arith.constant 1 : i32
      %eq3A_88 = arith.cmpi eq, %select_n3A_86, %eq3A_87 : i32
      %select_n3A_89 = arith.constant 0 : i32
      %select_n3A_90 = arith.select %eq3A_88, %select_n3A_89, %select_n3A_86 : i32
      %add3A_91 = arith.constant 0 : i32
      %add3A_92 = arith.addi %add3A_91, %mul3A_6 : i32
      %select_n3A_93 = arith.constant true
      %select_n3A_94 = arith.constant 0 : i32
      %select_n3A_95 = arith.constant 1 : i32
      %select_n3A_96 = arith.select %select_n3A_93, %select_n3A_95, %select_n3A_94 : i32
      %eq3A_97 = arith.constant 1 : i32
      %eq3A_98 = arith.cmpi eq, %select_n3A_96, %eq3A_97 : i32
      %select_n3A_99 = arith.constant 0 : i32
      %select_n3A_100 = arith.select %eq3A_98, %select_n3A_99, %select_n3A_96 : i32
      %add3A_101 = arith.constant 0 : i32
      %add3A_102 = arith.addi %add3A_101, %mul3A_6 : i32
      %ne3A = arith.cmpi ne, %add3A_72, %add3A_92 : i32
      %or3A = arith.constant false
      %or3A_103 = arith.ori %or3A, %ne3A : i1
      %ge3A = arith.constant 0 : i32
      %ge3A_104 = arith.cmpi sge, %scan3A_66, %ge3A : i32
      %not3A = arith.constant true
      %not3A_105 = arith.xori %ge3A_104, %not3A : i1
      %and3A = arith.andi %or3A_103, %not3A_105 : i1
      %convert_element_type3A = arith.extui %and3A : i1 to i32
      %cond3A = arith.constant 0 : i32
      %cond3A_106 = arith.cmpi ne, %convert_element_type3A, %cond3A : i32
      scf.if %cond3A_106 {
        "tpu.trace_start"() <{level = 10 : i32, message = "ep_copy_in"}> : () -> ()
        %rem3A_266 = arith.constant 2 : i32
        %rem3A_267 = arith.remui %select_n3A_62, %rem3A_266 : i32
        %mul3A_268 = arith.constant 128 : i32
        %mul3A_269 = arith.muli %mul3A_268, %add3A_92 : i32
        %dma_start3A_270 = arith.constant 0 : i32
        %dma_start3A_271 = arith.constant 0 : i32
        %dma_start3A_272 = tpu.memref_slice %run_scoped3A[%rem3A_267, %dma_start3A_270, %dma_start3A_271] : memref<2x1x128xi32, #tpu.memory_space<vmem>> -> memref<1x1x128xi32, #tpu.memory_space<vmem>>
        %dma_start3A_273 = tpu.memref_squeeze %dma_start3A_272 : memref<1x1x128xi32, #tpu.memory_space<vmem>> -> memref<1x128xi32, #tpu.memory_space<vmem>>
        %dma_start3A_274 = arith.constant 0 : i32
        %dma_start3A_275 = tpu.memref_slice %arg3[%dma_start3A_274, %mul3A_269] : memref<1x4096xi32, #tpu.memory_space<hbm>> -> memref<1x128xi32, #tpu.memory_space<hbm>>
        %dma_start3A_276 = tpu.memref_slice %run_scoped3A_7[%rem3A_267] : memref<2x!tpu.dma_semaphore, #tpu.memory_space<semaphore_mem>> -> memref<1x!tpu.dma_semaphore, #tpu.memory_space<semaphore_mem>>
        %dma_start3A_277 = tpu.memref_squeeze %dma_start3A_276 : memref<1x!tpu.dma_semaphore, #tpu.memory_space<semaphore_mem>> -> memref<!tpu.dma_semaphore, #tpu.memory_space<semaphore_mem>>
        %dma_start3A_278 = arith.constant 0 : i32
        %dma_start3A_279 = arith.constant 0 : i32
        %dma_start3A_280 = tpu.memref_slice %run_scoped3A[%rem3A_267, %dma_start3A_278, %dma_start3A_279] : memref<2x1x128xi32, #tpu.memory_space<vmem>> -> memref<1x1x128xi32, #tpu.memory_space<vmem>>
        %dma_start3A_281 = tpu.memref_squeeze %dma_start3A_280 : memref<1x1x128xi32, #tpu.memory_space<vmem>> -> memref<1x128xi32, #tpu.memory_space<vmem>>
        %dma_start3A_282 = arith.constant 0 : i32
        %dma_start3A_283 = tpu.memref_slice %arg3[%dma_start3A_282, %mul3A_269] : memref<1x4096xi32, #tpu.memory_space<hbm>> -> memref<1x128xi32, #tpu.memory_space<hbm>>
        tpu.enqueue_dma source(%dma_start3A_283 : memref<1x128xi32, #tpu.memory_space<hbm>>) target(%dma_start3A_281 : memref<1x128xi32, #tpu.memory_space<vmem>>) target_semaphore(%dma_start3A_277 : memref<!tpu.dma_semaphore, #tpu.memory_space<semaphore_mem>>)
        "tpu.trace_stop"() : () -> ()
      } else {
      }
      %and3A_107 = arith.constant true
      %and3A_108 = arith.andi %and3A, %and3A_107 : i1
      %add3A_109 = arith.constant 1 : i32
      %add3A_110 = arith.addi %select_n3A_62, %add3A_109 : i32
      %select_n3A_111 = arith.select %and3A_108, %add3A_110, %select_n3A_62 : i32
      %ne3A_112 = arith.cmpi ne, %add3A_72, %add3A_92 : i32
      %or3A_113 = arith.constant false
      %or3A_114 = arith.ori %or3A_113, %ne3A_112 : i1
      %or3A_115 = arith.constant false
      %or3A_116 = arith.ori %or3A_114, %or3A_115 : i1
      %ge3A_117 = arith.constant 0 : i32
      %ge3A_118 = arith.cmpi sge, %scan3A_66, %ge3A_117 : i32
      %not3A_119 = arith.constant true
      %not3A_120 = arith.xori %ge3A_118, %not3A_119 : i1
      %and3A_121 = arith.andi %or3A_116, %not3A_120 : i1
      %ne3A_122 = arith.cmpi ne, %add3A_72, %add3A_82 : i32
      %or3A_123 = arith.constant false
      %or3A_124 = arith.ori %or3A_123, %ne3A_122 : i1
      %or3A_125 = arith.ori %or3A_124, %eq3A_68 : i1
      %convert_element_type3A_126 = arith.extui %or3A_125 : i1 to i32
      %cond3A_127 = arith.constant 0 : i32
      %cond3A_128 = arith.cmpi ne, %convert_element_type3A_126, %cond3A_127 : i32
      scf.if %cond3A_128 {
        "tpu.trace_start"() <{level = 10 : i32, message = "ep_wait_in"}> : () -> ()
        %mul3A_266 = arith.constant 128 : i32
        %mul3A_267 = arith.muli %mul3A_266, %add3A_72 : i32
        %rem3A_268 = arith.constant 2 : i32
        %rem3A_269 = arith.remui %scan3A, %rem3A_268 : i32
        %dma_wait3A_270 = arith.constant 0 : i32
        %dma_wait3A_271 = arith.constant 0 : i32
        %dma_wait3A_272 = tpu.memref_slice %run_scoped3A[%rem3A_269, %dma_wait3A_270, %dma_wait3A_271] : memref<2x1x128xi32, #tpu.memory_space<vmem>> -> memref<1x1x128xi32, #tpu.memory_space<vmem>>
        %dma_wait3A_273 = tpu.memref_squeeze %dma_wait3A_272 : memref<1x1x128xi32, #tpu.memory_space<vmem>> -> memref<1x128xi32, #tpu.memory_space<vmem>>
        %dma_wait3A_274 = arith.constant 0 : i32
        %dma_wait3A_275 = tpu.memref_slice %arg3[%dma_wait3A_274, %mul3A_267] : memref<1x4096xi32, #tpu.memory_space<hbm>> -> memref<1x128xi32, #tpu.memory_space<hbm>>
        %dma_wait3A_276 = tpu.memref_slice %run_scoped3A_7[%rem3A_269] : memref<2x!tpu.dma_semaphore, #tpu.memory_space<semaphore_mem>> -> memref<1x!tpu.dma_semaphore, #tpu.memory_space<semaphore_mem>>
        %dma_wait3A_277 = tpu.memref_squeeze %dma_wait3A_276 : memref<1x!tpu.dma_semaphore, #tpu.memory_space<semaphore_mem>> -> memref<!tpu.dma_semaphore, #tpu.memory_space<semaphore_mem>>
        %dma_wait3A_278 = arith.constant 0 : i32
        %dma_wait3A_279 = arith.constant 0 : i32
        %dma_wait3A_280 = tpu.memref_slice %run_scoped3A[%rem3A_269, %dma_wait3A_278, %dma_wait3A_279] : memref<2x1x128xi32, #tpu.memory_space<vmem>> -> memref<1x1x128xi32, #tpu.memory_space<vmem>>
        %dma_wait3A_281 = tpu.memref_squeeze %dma_wait3A_280 : memref<1x1x128xi32, #tpu.memory_space<vmem>> -> memref<1x128xi32, #tpu.memory_space<vmem>>
        %dma_wait3A_282 = arith.constant 0 : i32
        %dma_wait3A_283 = tpu.memref_slice %arg3[%dma_wait3A_282, %mul3A_267] : memref<1x4096xi32, #tpu.memory_space<hbm>> -> memref<1x128xi32, #tpu.memory_space<hbm>>
        tpu.wait_dma2 semaphore(%dma_wait3A_277 : memref<!tpu.dma_semaphore, #tpu.memory_space<semaphore_mem>>) src(%dma_wait3A_283 : memref<1x128xi32, #tpu.memory_space<hbm>>) dst(%dma_wait3A_281 : memref<1x128xi32, #tpu.memory_space<vmem>>)
        "tpu.trace_stop"() : () -> ()
      } else {
      }
      %ne3A_129 = arith.cmpi ne, %add3A_72, %add3A_82 : i32
      %or3A_130 = arith.constant false
      %or3A_131 = arith.ori %or3A_130, %ne3A_129 : i1
      %or3A_132 = arith.constant false
      %or3A_133 = arith.ori %or3A_131, %or3A_132 : i1
      %or3A_134 = arith.ori %or3A_133, %eq3A_68 : i1
      %convert_element_type3A_135 = arith.extui %or3A_134 : i1 to i32
      %cond3A_136 = arith.constant 0 : i32
      %cond3A_137 = arith.cmpi ne, %convert_element_type3A_135, %cond3A_136 : i32
      scf.if %cond3A_137 {
      } else {
      }
      %rem3A_138 = arith.constant 2 : i32
      %rem3A_139 = arith.remui %scan3A, %rem3A_138 : i32
      %rem3A_140 = arith.constant 2 : i32
      %rem3A_141 = arith.remui %scan3A_63, %rem3A_140 : i32
      %run_scoped3A_142 = arith.constant 0 : i32
      "tpu.trace_start"() <{level = 10 : i32, message = "ep_run_kernel"}> : () -> ()
      "tpu.region"() ({
        %run_scoped3A_266 = tpu.sem_alloc : memref<!tpu.dma_semaphore, #tpu.memory_space<semaphore_mem>>
        %dma_start3A_267 = arith.constant 0 : i32
        %dma_start3A_268 = arith.constant 0 : i32
        %dma_start3A_269 = tpu.memref_slice %run_scoped3A_8[%rem3A_141, %dma_start3A_267, %dma_start3A_268] : memref<2x128x256xf32, #tpu.memory_space<vmem>> -> memref<1x128x256xf32, #tpu.memory_space<vmem>>
        %dma_start3A_270 = tpu.memref_squeeze %dma_start3A_269 : memref<1x128x256xf32, #tpu.memory_space<vmem>> -> memref<128x256xf32, #tpu.memory_space<vmem>>
        %dma_start3A_271 = arith.constant 0 : i32
        %dma_start3A_272 = arith.constant 0 : i32
        %dma_start3A_273 = tpu.memref_slice %run_scoped3A[%rem3A_139, %dma_start3A_271, %dma_start3A_272] : memref<2x1x128xi32, #tpu.memory_space<vmem>> -> memref<1x1x128xi32, #tpu.memory_space<vmem>>
        %dma_start3A_274 = tpu.memref_squeeze %dma_start3A_273 : memref<1x1x128xi32, #tpu.memory_space<vmem>> -> memref<1x128xi32, #tpu.memory_space<vmem>>
        %dma_start3A_275 = arith.constant 0 : i32
        %dma_start3A_276 = tpu.memref_slice %dma_start3A_274[%run_scoped3A_142, %dma_start3A_275] : memref<1x128xi32, #tpu.memory_space<vmem>> -> memref<1x128xi32, #tpu.memory_space<vmem>>
        %dma_start3A_277 = tpu.memref_squeeze %dma_start3A_276 : memref<1x128xi32, #tpu.memory_space<vmem>> -> memref<128xi32, #tpu.memory_space<vmem>>
        %dma_start3A_278 = arith.constant 0 : i32
        %dma_start3A_279 = arith.constant 0 : i32
        %dma_start3A_280 = tpu.memref_slice %arg2[%dma_start3A_278, %dma_start3A_279] : memref<8192x256xf32, #tpu.memory_space<hbm>> -> memref<8192x256xf32, #tpu.memory_space<hbm>>
        tpu.enqueue_indirect_dma source(%dma_start3A_280 : memref<8192x256xf32, #tpu.memory_space<hbm>>) target(%dma_start3A_270 : memref<128x256xf32, #tpu.memory_space<vmem>>) offsets(%dma_start3A_277 : memref<128xi32, #tpu.memory_space<vmem>>) semaphore(%run_scoped3A_266 : memref<!tpu.dma_semaphore, #tpu.memory_space<semaphore_mem>>)
        %dma_wait3A_281 = arith.constant 0 : i32
        %dma_wait3A_282 = arith.constant 0 : i32
        %dma_wait3A_283 = tpu.memref_slice %run_scoped3A_8[%rem3A_141, %dma_wait3A_281, %dma_wait3A_282] : memref<2x128x256xf32, #tpu.memory_space<vmem>> -> memref<1x128x256xf32, #tpu.memory_space<vmem>>
        %dma_wait3A_284 = tpu.memref_squeeze %dma_wait3A_283 : memref<1x128x256xf32, #tpu.memory_space<vmem>> -> memref<128x256xf32, #tpu.memory_space<vmem>>
        %dma_wait3A_285 = arith.constant 0 : i32
        %dma_wait3A_286 = arith.constant 0 : i32
        %dma_wait3A_287 = tpu.memref_slice %run_scoped3A[%rem3A_139, %dma_wait3A_285, %dma_wait3A_286] : memref<2x1x128xi32, #tpu.memory_space<vmem>> -> memref<1x1x128xi32, #tpu.memory_space<vmem>>
        %dma_wait3A_288 = tpu.memref_squeeze %dma_wait3A_287 : memref<1x1x128xi32, #tpu.memory_space<vmem>> -> memref<1x128xi32, #tpu.memory_space<vmem>>
        %dma_wait3A_289 = arith.constant 0 : i32
        %dma_wait3A_290 = tpu.memref_slice %dma_wait3A_288[%run_scoped3A_142, %dma_wait3A_289] : memref<1x128xi32, #tpu.memory_space<vmem>> -> memref<1x128xi32, #tpu.memory_space<vmem>>
        %dma_wait3A_291 = tpu.memref_squeeze %dma_wait3A_290 : memref<1x128xi32, #tpu.memory_space<vmem>> -> memref<128xi32, #tpu.memory_space<vmem>>
        %dma_wait3A_292 = arith.constant 0 : i32
        %dma_wait3A_293 = arith.constant 0 : i32
        %dma_wait3A_294 = tpu.memref_slice %arg2[%dma_wait3A_292, %dma_wait3A_293] : memref<8192x256xf32, #tpu.memory_space<hbm>> -> memref<8192x256xf32, #tpu.memory_space<hbm>>
        tpu.wait_indirect_dma semaphore(%run_scoped3A_266 : memref<!tpu.dma_semaphore, #tpu.memory_space<semaphore_mem>>) src(%dma_wait3A_294 : memref<8192x256xf32, #tpu.memory_space<hbm>>) dst(%dma_wait3A_284 : memref<128x256xf32, #tpu.memory_space<vmem>>)
        tpu.yield
      }) : () -> ()
      "tpu.trace_stop"() : () -> ()
      %ne3A_143 = arith.cmpi ne, %add3A_72, %add3A_92 : i32
      %or3A_144 = arith.constant false
      %or3A_145 = arith.ori %or3A_144, %ne3A_143 : i1
      %or3A_146 = arith.ori %or3A_145, %eq3A_70 : i1
      %convert_element_type3A_147 = arith.extui %or3A_146 : i1 to i32
      %cond3A_148 = arith.constant 0 : i32
      %cond3A_149 = arith.cmpi ne, %convert_element_type3A_147, %cond3A_148 : i32
      scf.if %cond3A_149 {
      } else {
      }
      %and3A_150 = arith.constant false
      %and3A_151 = arith.andi %or3A_146, %and3A_150 : i1
      %ne3A_152 = arith.cmpi ne, %add3A_72, %add3A_92 : i32
      %or3A_153 = arith.constant false
      %or3A_154 = arith.ori %or3A_153, %ne3A_152 : i1
      %or3A_155 = arith.constant false
      %or3A_156 = arith.ori %or3A_154, %or3A_155 : i1
      %or3A_157 = arith.ori %or3A_156, %eq3A_70 : i1
      %convert_element_type3A_158 = arith.extui %or3A_157 : i1 to i32
      %cond3A_159 = arith.constant 0 : i32
      %cond3A_160 = arith.cmpi ne, %convert_element_type3A_158, %cond3A_159 : i32
      scf.if %cond3A_160 {
        "tpu.trace_start"() <{level = 10 : i32, message = "ep_copy_out"}> : () -> ()
        %rem3A_266 = arith.constant 2 : i32
        %rem3A_267 = arith.remui %scan3A_63, %rem3A_266 : i32
        %mul3A_268 = arith.constant 128 : i32
        %mul3A_269 = arith.muli %mul3A_268, %add3A_72 : i32
        %dma_start3A_270 = arith.constant 0 : i32
        %dma_start3A_271 = arith.constant 0 : i32
        %dma_start3A_272 = tpu.memref_slice %run_scoped3A_8[%rem3A_267, %dma_start3A_270, %dma_start3A_271] : memref<2x128x256xf32, #tpu.memory_space<vmem>> -> memref<1x128x256xf32, #tpu.memory_space<vmem>>
        %dma_start3A_273 = tpu.memref_squeeze %dma_start3A_272 : memref<1x128x256xf32, #tpu.memory_space<vmem>> -> memref<128x256xf32, #tpu.memory_space<vmem>>
        %dma_start3A_274 = arith.constant 0 : i32
        %dma_start3A_275 = tpu.memref_slice %arg4[%mul3A_269, %dma_start3A_274] : memref<4096x256xf32, #tpu.memory_space<hbm>> -> memref<128x256xf32, #tpu.memory_space<hbm>>
        %dma_start3A_276 = tpu.memref_slice %run_scoped3A_9[%rem3A_267] : memref<2x!tpu.dma_semaphore, #tpu.memory_space<semaphore_mem>> -> memref<1x!tpu.dma_semaphore, #tpu.memory_space<semaphore_mem>>
        %dma_start3A_277 = tpu.memref_squeeze %dma_start3A_276 : memref<1x!tpu.dma_semaphore, #tpu.memory_space<semaphore_mem>> -> memref<!tpu.dma_semaphore, #tpu.memory_space<semaphore_mem>>
        %dma_start3A_278 = arith.constant 0 : i32
        %dma_start3A_279 = tpu.memref_slice %arg4[%mul3A_269, %dma_start3A_278] : memref<4096x256xf32, #tpu.memory_space<hbm>> -> memref<128x256xf32, #tpu.memory_space<hbm>>
        %dma_start3A_280 = arith.constant 0 : i32
        %dma_start3A_281 = arith.constant 0 : i32
        %dma_start3A_282 = tpu.memref_slice %run_scoped3A_8[%rem3A_267, %dma_start3A_280, %dma_start3A_281] : memref<2x128x256xf32, #tpu.memory_space<vmem>> -> memref<1x128x256xf32, #tpu.memory_space<vmem>>
        %dma_start3A_283 = tpu.memref_squeeze %dma_start3A_282 : memref<1x128x256xf32, #tpu.memory_space<vmem>> -> memref<128x256xf32, #tpu.memory_space<vmem>>
        tpu.enqueue_dma source(%dma_start3A_283 : memref<128x256xf32, #tpu.memory_space<vmem>>) target(%dma_start3A_279 : memref<128x256xf32, #tpu.memory_space<hbm>>) target_semaphore(%dma_start3A_277 : memref<!tpu.dma_semaphore, #tpu.memory_space<semaphore_mem>>)
        "tpu.trace_stop"() : () -> ()
      } else {
      }
      %and3A_161 = arith.constant true
      %and3A_162 = arith.andi %or3A_157, %and3A_161 : i1
      %add3A_163 = arith.constant 1 : i32
      %add3A_164 = arith.addi %scan3A_63, %add3A_163 : i32
      %select_n3A_165 = arith.select %and3A_162, %add3A_164, %scan3A_63 : i32
      %ne3A_166 = arith.cmpi ne, %add3A_72, %add3A_82 : i32
      %or3A_167 = arith.constant false
      %or3A_168 = arith.ori %or3A_167, %ne3A_166 : i1
      %not3A_169 = arith.constant true
      %not3A_170 = arith.xori %eq3A_68, %not3A_169 : i1
      %and3A_171 = arith.andi %or3A_168, %not3A_170 : i1
      %convert_element_type3A_172 = arith.extui %and3A_171 : i1 to i32
      %cond3A_173 = arith.constant 0 : i32
      %cond3A_174 = arith.cmpi ne, %convert_element_type3A_172, %cond3A_173 : i32
      scf.if %cond3A_174 {
      } else {
      }
      %and3A_175 = arith.constant false
      %and3A_176 = arith.andi %and3A_171, %and3A_175 : i1
      %ne3A_177 = arith.cmpi ne, %add3A_72, %add3A_82 : i32
      %or3A_178 = arith.constant false
      %or3A_179 = arith.ori %or3A_178, %ne3A_177 : i1
      %or3A_180 = arith.constant false
      %or3A_181 = arith.ori %or3A_179, %or3A_180 : i1
      %not3A_182 = arith.constant true
      %not3A_183 = arith.xori %eq3A_68, %not3A_182 : i1
      %and3A_184 = arith.andi %or3A_181, %not3A_183 : i1
      %convert_element_type3A_185 = arith.extui %and3A_184 : i1 to i32
      %cond3A_186 = arith.constant 0 : i32
      %cond3A_187 = arith.cmpi ne, %convert_element_type3A_185, %cond3A_186 : i32
      scf.if %cond3A_187 {
        "tpu.trace_start"() <{level = 10 : i32, message = "ep_wait_out"}> : () -> ()
        %rem3A_266 = arith.constant 2 : i32
        %rem3A_267 = arith.remui %scan3A_64, %rem3A_266 : i32
        %mul3A_268 = arith.constant 128 : i32
        %mul3A_269 = arith.muli %mul3A_268, %add3A_82 : i32
        %dma_wait3A_270 = arith.constant 0 : i32
        %dma_wait3A_271 = arith.constant 0 : i32
        %dma_wait3A_272 = tpu.memref_slice %run_scoped3A_8[%rem3A_267, %dma_wait3A_270, %dma_wait3A_271] : memref<2x128x256xf32, #tpu.memory_space<vmem>> -> memref<1x128x256xf32, #tpu.memory_space<vmem>>
        %dma_wait3A_273 = tpu.memref_squeeze %dma_wait3A_272 : memref<1x128x256xf32, #tpu.memory_space<vmem>> -> memref<128x256xf32, #tpu.memory_space<vmem>>
        %dma_wait3A_274 = arith.constant 0 : i32
        %dma_wait3A_275 = tpu.memref_slice %arg4[%mul3A_269, %dma_wait3A_274] : memref<4096x256xf32, #tpu.memory_space<hbm>> -> memref<128x256xf32, #tpu.memory_space<hbm>>
        %dma_wait3A_276 = tpu.memref_slice %run_scoped3A_9[%rem3A_267] : memref<2x!tpu.dma_semaphore, #tpu.memory_space<semaphore_mem>> -> memref<1x!tpu.dma_semaphore, #tpu.memory_space<semaphore_mem>>
        %dma_wait3A_277 = tpu.memref_squeeze %dma_wait3A_276 : memref<1x!tpu.dma_semaphore, #tpu.memory_space<semaphore_mem>> -> memref<!tpu.dma_semaphore, #tpu.memory_space<semaphore_mem>>
        %dma_wait3A_278 = arith.constant 0 : i32
        %dma_wait3A_279 = tpu.memref_slice %arg4[%mul3A_269, %dma_wait3A_278] : memref<4096x256xf32, #tpu.memory_space<hbm>> -> memref<128x256xf32, #tpu.memory_space<hbm>>
        %dma_wait3A_280 = arith.constant 0 : i32
        %dma_wait3A_281 = arith.constant 0 : i32
        %dma_wait3A_282 = tpu.memref_slice %run_scoped3A_8[%rem3A_267, %dma_wait3A_280, %dma_wait3A_281] : memref<2x128x256xf32, #tpu.memory_space<vmem>> -> memref<1x128x256xf32, #tpu.memory_space<vmem>>
        %dma_wait3A_283 = tpu.memref_squeeze %dma_wait3A_282 : memref<1x128x256xf32, #tpu.memory_space<vmem>> -> memref<128x256xf32, #tpu.memory_space<vmem>>
        tpu.wait_dma2 semaphore(%dma_wait3A_277 : memref<!tpu.dma_semaphore, #tpu.memory_space<semaphore_mem>>) src(%dma_wait3A_283 : memref<128x256xf32, #tpu.memory_space<vmem>>) dst(%dma_wait3A_279 : memref<128x256xf32, #tpu.memory_space<hbm>>)
        "tpu.trace_stop"() : () -> ()
      } else {
      }
      %and3A_188 = arith.constant true
      %and3A_189 = arith.andi %and3A_184, %and3A_188 : i1
      %add3A_190 = arith.constant 1 : i32
      %add3A_191 = arith.addi %scan3A_64, %add3A_190 : i32
      %select_n3A_192 = arith.select %and3A_189, %add3A_191, %scan3A_64 : i32
      %ne3A_193 = arith.cmpi ne, %add3A_72, %add3A_92 : i32
      %or3A_194 = arith.constant false
      %or3A_195 = arith.ori %or3A_194, %ne3A_193 : i1
      %or3A_196 = arith.ori %or3A_195, %eq3A_70 : i1
      %add3A_197 = arith.constant 1 : i32
      %add3A_198 = arith.addi %scan3A, %add3A_197 : i32
      %select_n3A_199 = arith.select %or3A_196, %add3A_198, %scan3A : i32
      %select_n3A_200 = arith.constant true
      %select_n3A_201 = arith.constant 0 : i32
      %select_n3A_202 = arith.constant 1 : i32
      %select_n3A_203 = arith.select %select_n3A_200, %select_n3A_202, %select_n3A_201 : i32
      %eq3A_204 = arith.constant 1 : i32
      %eq3A_205 = arith.cmpi eq, %select_n3A_203, %eq3A_204 : i32
      %select_n3A_206 = arith.constant 0 : i32
      %select_n3A_207 = arith.select %eq3A_205, %select_n3A_206, %select_n3A_203 : i32
      %scan3A_208 = arith.constant 0 : i32
      %scan3A_209 = arith.constant 1 : i32
      %sub3A = arith.constant 1 : i32
      %sub3A_210 = arith.subi %scan3A_208, %sub3A : i32
      %select_n3A_211 = arith.constant true
      %select_n3A_212 = arith.select %select_n3A_211, %sub3A_210, %scan3A_208 : i32
      %eq3A_213 = arith.constant -1 : i32
      %eq3A_214 = arith.cmpi eq, %select_n3A_212, %eq3A_213 : i32
      %select_n3A_215 = arith.constant 0 : i32
      %select_n3A_216 = arith.select %eq3A_214, %select_n3A_215, %select_n3A_212 : i32
      %add3A_217 = arith.constant 0 : i32
      %add3A_218 = arith.addi %add3A_217, %mul3A_6 : i32
      %select_n3A_219 = arith.constant true
      %select_n3A_220 = arith.constant 0 : i32
      %select_n3A_221 = arith.constant -1 : i32
      %select_n3A_222 = arith.select %select_n3A_219, %select_n3A_221, %select_n3A_220 : i32
      %eq3A_223 = arith.constant -1 : i32
      %eq3A_224 = arith.cmpi eq, %select_n3A_222, %eq3A_223 : i32
      %select_n3A_225 = arith.constant 0 : i32
      %select_n3A_226 = arith.select %eq3A_224, %select_n3A_225, %select_n3A_222 : i32
      %add3A_227 = arith.constant 0 : i32
      %add3A_228 = arith.addi %add3A_227, %mul3A_6 : i32
      %select_n3A_229 = arith.constant true
      %select_n3A_230 = arith.constant 0 : i32
      %select_n3A_231 = arith.constant 1 : i32
      %select_n3A_232 = arith.select %select_n3A_229, %select_n3A_231, %select_n3A_230 : i32
      %eq3A_233 = arith.constant 1 : i32
      %eq3A_234 = arith.cmpi eq, %select_n3A_232, %eq3A_233 : i32
      %select_n3A_235 = arith.constant 0 : i32
      %select_n3A_236 = arith.select %eq3A_234, %select_n3A_235, %select_n3A_232 : i32
      %add3A_237 = arith.constant 0 : i32
      %add3A_238 = arith.addi %add3A_237, %mul3A_6 : i32
      %select_n3A_239 = arith.constant true
      %select_n3A_240 = arith.constant 0 : i32
      %select_n3A_241 = arith.constant 1 : i32
      %select_n3A_242 = arith.select %select_n3A_239, %select_n3A_241, %select_n3A_240 : i32
      %eq3A_243 = arith.constant 1 : i32
      %eq3A_244 = arith.cmpi eq, %select_n3A_242, %eq3A_243 : i32
      %select_n3A_245 = arith.constant 0 : i32
      %select_n3A_246 = arith.select %eq3A_244, %select_n3A_245, %select_n3A_242 : i32
      %add3A_247 = arith.constant 0 : i32
      %add3A_248 = arith.addi %add3A_247, %mul3A_6 : i32
      "tpu.trace_start"() <{level = 10 : i32, message = "ep_finalize"}> : () -> ()
      %rem3A_249 = arith.constant 2 : i32
      %rem3A_250 = arith.remui %select_n3A_192, %rem3A_249 : i32
      %mul3A_251 = arith.constant 128 : i32
      %mul3A_252 = arith.muli %mul3A_251, %add3A_218 : i32
      %dma_wait3A = arith.constant 0 : i32
      %dma_wait3A_253 = arith.constant 0 : i32
      %dma_wait3A_254 = tpu.memref_slice %run_scoped3A_8[%rem3A_250, %dma_wait3A, %dma_wait3A_253] : memref<2x128x256xf32, #tpu.memory_space<vmem>> -> memref<1x128x256xf32, #tpu.memory_space<vmem>>
      %dma_wait3A_255 = tpu.memref_squeeze %dma_wait3A_254 : memref<1x128x256xf32, #tpu.memory_space<vmem>> -> memref<128x256xf32, #tpu.memory_space<vmem>>
      %dma_wait3A_256 = arith.constant 0 : i32
      %dma_wait3A_257 = tpu.memref_slice %arg4[%mul3A_252, %dma_wait3A_256] : memref<4096x256xf32, #tpu.memory_space<hbm>> -> memref<128x256xf32, #tpu.memory_space<hbm>>
      %dma_wait3A_258 = tpu.memref_slice %run_scoped3A_9[%rem3A_250] : memref<2x!tpu.dma_semaphore, #tpu.memory_space<semaphore_mem>> -> memref<1x!tpu.dma_semaphore, #tpu.memory_space<semaphore_mem>>
      %dma_wait3A_259 = tpu.memref_squeeze %dma_wait3A_258 : memref<1x!tpu.dma_semaphore, #tpu.memory_space<semaphore_mem>> -> memref<!tpu.dma_semaphore, #tpu.memory_space<semaphore_mem>>
      %dma_wait3A_260 = arith.constant 0 : i32
      %dma_wait3A_261 = tpu.memref_slice %arg4[%mul3A_252, %dma_wait3A_260] : memref<4096x256xf32, #tpu.memory_space<hbm>> -> memref<128x256xf32, #tpu.memory_space<hbm>>
      %dma_wait3A_262 = arith.constant 0 : i32
      %dma_wait3A_263 = arith.constant 0 : i32
      %dma_wait3A_264 = tpu.memref_slice %run_scoped3A_8[%rem3A_250, %dma_wait3A_262, %dma_wait3A_263] : memref<2x128x256xf32, #tpu.memory_space<vmem>> -> memref<1x128x256xf32, #tpu.memory_space<vmem>>
      %dma_wait3A_265 = tpu.memref_squeeze %dma_wait3A_264 : memref<1x128x256xf32, #tpu.memory_space<vmem>> -> memref<128x256xf32, #tpu.memory_space<vmem>>
      tpu.wait_dma2 semaphore(%dma_wait3A_259 : memref<!tpu.dma_semaphore, #tpu.memory_space<semaphore_mem>>) src(%dma_wait3A_265 : memref<128x256xf32, #tpu.memory_space<vmem>>) dst(%dma_wait3A_261 : memref<128x256xf32, #tpu.memory_space<hbm>>)
      "tpu.trace_stop"() : () -> ()
      tpu.yield
    }) : () -> ()
    return
  }
}

module attributes {stable_mosaic.version = 14 : i64} {
  func.func @_argmin_body(%arg0: i32, %arg1: i32, %arg2: memref<4096x256xf32, #tpu.memory_space<vmem>>, %arg3: memref<1024x256xf32, #tpu.memory_space<vmem>>, %arg4: memref<4096x1xi32, #tpu.memory_space<vmem>>, %arg5: memref<1x1xf32, #tpu.memory_space<smem>>, %arg6: memref<4096x128xf32, #tpu.memory_space<vmem>>, %arg7: memref<4096x128xf32, #tpu.memory_space<vmem>>, %arg8: memref<4096x1xf32, #tpu.memory_space<vmem>>, %arg9: memref<8x1024xf32, #tpu.memory_space<vmem>>, %arg10: memref<4096x256xf32, #tpu.memory_space<vmem>>) attributes {dimension_semantics = [#tpu.dimension_semantics<arbitrary>, #tpu.dimension_semantics<arbitrary>], iteration_bounds = array<i64: 1, 8>, scalar_prefetch = 0 : i64, scratch_operands = 5 : i64, tpu.core_type = #tpu.core_type<tc>, window_params = [{transform_indices = @transform_0, window_bounds = array<i64: 4096, 256>}, {transform_indices = @transform_1, window_bounds = array<i64: 1024, 256>}, {transform_indices = @transform_2, window_bounds = array<i64: 4096, 1>}, {transform_indices = @transform_3, window_bounds = array<i64: 1, 1>}]} {
    %get3A = arith.constant 0 : index
    %get3A_0 = arith.constant 0 : index
    %get3A_1 = vector.load %arg3[%get3A, %get3A_0] : memref<1024x256xf32, #tpu.memory_space<vmem>>, vector<1024x256xf32>
    %eq3A = arith.constant 0 : i32
    %eq3A_2 = arith.cmpi eq, %arg1, %eq3A : i32
    %convert_element_type3A = arith.extui %eq3A_2 : i1 to i32
    %cond3A = arith.constant 0 : i32
    %cond3A_3 = arith.cmpi ne, %convert_element_type3A, %cond3A : i32
    scf.if %cond3A_3 {
      %get3A_482 = arith.constant 0 : index
      %get3A_483 = arith.constant 0 : index
      %get3A_484 = vector.load %arg2[%get3A_482, %get3A_483] : memref<4096x256xf32, #tpu.memory_space<vmem>>, vector<4096x256xf32>
      %mul3A_485 = arith.mulf %get3A_484, %get3A_484 : vector<4096x256xf32>
      %reduce_sum3A = arith.constant dense<0.000000e+00> : vector<4096xf32>
      %reduce_sum3A_486 = vector.multi_reduction <add>, %mul3A_485, %reduce_sum3A [1] : vector<4096x256xf32> to vector<4096xf32>
      %broadcast_in_dim3A_487 = vector.shape_cast %reduce_sum3A_486 : vector<4096xf32> to vector<4096x1xf32>
      %swap3A_488 = arith.constant 0 : index
      %swap3A_489 = arith.constant 0 : index
      %swap3A_490 = vector.load %arg8[%swap3A_488, %swap3A_489] : memref<4096x1xf32, #tpu.memory_space<vmem>>, vector<4096x1xf32>
      tpu.vector_store %arg8[%swap3A_488, %swap3A_489], %broadcast_in_dim3A_487 {strides = array<i32>} : memref<4096x1xf32, #tpu.memory_space<vmem>>, vector<4096x1xf32>,
      %add3A_491 = arith.addf %get3A_484, %get3A_484 : vector<4096x256xf32>
      %swap3A_492 = arith.constant 0 : index
      %swap3A_493 = arith.constant 0 : index
      %swap3A_494 = vector.load %arg10[%swap3A_492, %swap3A_493] : memref<4096x256xf32, #tpu.memory_space<vmem>>, vector<4096x256xf32>
      tpu.vector_store %arg10[%swap3A_492, %swap3A_493], %add3A_491 {strides = array<i32>} : memref<4096x256xf32, #tpu.memory_space<vmem>>, vector<4096x256xf32>,
      %broadcast_in_dim3A_495 = arith.constant 0x7F800000 : f32
      %broadcast_in_dim3A_496 = vector.broadcast %broadcast_in_dim3A_495 : f32 to vector<4096x128xf32>
      %swap3A_497 = arith.constant 0 : index
      %swap3A_498 = arith.constant 0 : index
      %swap3A_499 = vector.load %arg6[%swap3A_497, %swap3A_498] : memref<4096x128xf32, #tpu.memory_space<vmem>>, vector<4096x128xf32>
      tpu.vector_store %arg6[%swap3A_497, %swap3A_498], %broadcast_in_dim3A_496 {strides = array<i32>} : memref<4096x128xf32, #tpu.memory_space<vmem>>, vector<4096x128xf32>,
    } else {
    }
    %eq3A_4 = arith.constant 0 : i32
    %eq3A_5 = arith.cmpi eq, %arg0, %eq3A_4 : i32
    %convert_element_type3A_6 = arith.extui %eq3A_5 : i1 to i32
    %cond3A_7 = arith.constant 0 : i32
    %cond3A_8 = arith.cmpi ne, %convert_element_type3A_6, %cond3A_7 : i32
    scf.if %cond3A_8 {
      %mul3A_482 = arith.mulf %get3A_1, %get3A_1 : vector<1024x256xf32>
      %reduce_sum3A = arith.constant dense<0.000000e+00> : vector<1024xf32>
      %reduce_sum3A_483 = vector.multi_reduction <add>, %mul3A_482, %reduce_sum3A [1] : vector<1024x256xf32> to vector<1024xf32>
      %swap3A_484 = arith.index_cast %arg1 : i32 to index
      %swap3A_485 = arith.constant 0 : index
      %swap3A_486 = vector.load %arg9[%swap3A_484, %swap3A_485] : memref<8x1024xf32, #tpu.memory_space<vmem>>, vector<1x1024xf32>
      %swap3A_487 = vector.shape_cast %swap3A_486 : vector<1x1024xf32> to vector<1024xf32>
      %swap3A_488 = vector.shape_cast %reduce_sum3A_483 : vector<1024xf32> to vector<1x1024xf32>
      tpu.vector_store %arg9[%swap3A_484, %swap3A_485], %swap3A_488 {strides = array<i32>} : memref<8x1024xf32, #tpu.memory_space<vmem>>, vector<1x1024xf32>,
    } else {
    }
    %get3A_9 = arith.index_cast %arg1 : i32 to index
    %get3A_10 = arith.constant 0 : index
    %get3A_11 = vector.load %arg9[%get3A_9, %get3A_10] : memref<8x1024xf32, #tpu.memory_space<vmem>>, vector<1x1024xf32>
    %get3A_12 = vector.shape_cast %get3A_11 : vector<1x1024xf32> to vector<1024xf32>
    %mul3A = arith.constant 1024 : i32
    %mul3A_13 = arith.muli %arg1, %mul3A : i32
    %convert_element_type3A_14 = arith.sitofp %mul3A_13 : i32 to f32
    %get3A_15 = arith.constant 0 : index
    %get3A_16 = arith.constant 0 : index
    %get3A_17 = vector.load %arg10[%get3A_15, %get3A_16] : memref<4096x256xf32, #tpu.memory_space<vmem>>, vector<512x256xf32>
    %dot_general3A = arith.constant dense<0.000000e+00> : vector<512x1024xf32>
    %dot_general3A_18 = tpu.matmul %get3A_17, %get3A_1, %dot_general3A {dimension_numbers = #tpu.dot_dimension_numbers<[1], [1], [0], [0], [0, 0, 1, 0], [], []>, transpose_lhs_hint = false} : vector<512x256xf32>, vector<1024x256xf32>, vector<512x1024xf32> -> vector<512x1024xf32>
    %get3A_19 = arith.constant 0 : index
    %get3A_20 = arith.constant 0 : index
    %get3A_21 = vector.load %arg8[%get3A_19, %get3A_20] : memref<4096x1xf32, #tpu.memory_space<vmem>>, vector<512x1xf32>
    %broadcast_in_dim3A = vector.shape_cast %get3A_12 : vector<1024xf32> to vector<1x1024xf32>
    %add3A = vector.broadcast %get3A_21 : vector<512x1xf32> to vector<512x1024xf32>
    %add3A_22 = vector.broadcast %broadcast_in_dim3A : vector<1x1024xf32> to vector<512x1024xf32>
    %add3A_23 = arith.addf %add3A, %add3A_22 : vector<512x1024xf32>
    %sub3A = arith.subf %add3A_23, %dot_general3A_18 : vector<512x1024xf32>
    %slice3A = vector.extract_strided_slice %sub3A {offsets = [0, 0], sizes = [512, 512], strides = [1, 1]} : vector<512x1024xf32> to vector<512x512xf32>
    %slice3A_24 = vector.extract_strided_slice %sub3A {offsets = [0, 512], sizes = [512, 512], strides = [1, 1]} : vector<512x1024xf32> to vector<512x512xf32>
    %lt3A = arith.cmpf olt, %slice3A_24, %slice3A : vector<512x512xf32>
    %jit3A = arith.constant 5.120000e+02 : f32
    %jit3A_25 = arith.constant 0.000000e+00 : f32
    %broadcast_in_dim3A_26 = vector.broadcast %jit3A : f32 to vector<512x512xf32>
    %broadcast_in_dim3A_27 = vector.broadcast %jit3A_25 : f32 to vector<512x512xf32>
    %select_n3A = arith.select %lt3A, %broadcast_in_dim3A_26, %broadcast_in_dim3A_27 : vector<512x512xi1>, vector<512x512xf32>
    %min3A = arith.minimumf %slice3A, %slice3A_24 : vector<512x512xf32>
    %slice3A_28 = vector.extract_strided_slice %min3A {offsets = [0, 0], sizes = [512, 256], strides = [1, 1]} : vector<512x512xf32> to vector<512x256xf32>
    %slice3A_29 = vector.extract_strided_slice %min3A {offsets = [0, 256], sizes = [512, 256], strides = [1, 1]} : vector<512x512xf32> to vector<512x256xf32>
    %lt3A_30 = arith.cmpf olt, %slice3A_29, %slice3A_28 : vector<512x256xf32>
    %slice3A_31 = vector.extract_strided_slice %select_n3A {offsets = [0, 256], sizes = [512, 256], strides = [1, 1]} : vector<512x512xf32> to vector<512x256xf32>
    %add3A_32 = arith.constant 2.560000e+02 : f32
    %add3A_33 = vector.broadcast %add3A_32 : f32 to vector<512x256xf32>
    %add3A_34 = arith.addf %slice3A_31, %add3A_33 : vector<512x256xf32>
    %slice3A_35 = vector.extract_strided_slice %select_n3A {offsets = [0, 0], sizes = [512, 256], strides = [1, 1]} : vector<512x512xf32> to vector<512x256xf32>
    %select_n3A_36 = arith.select %lt3A_30, %add3A_34, %slice3A_35 : vector<512x256xi1>, vector<512x256xf32>
    %min3A_37 = arith.minimumf %slice3A_28, %slice3A_29 : vector<512x256xf32>
    %slice3A_38 = vector.extract_strided_slice %min3A_37 {offsets = [0, 0], sizes = [512, 128], strides = [1, 1]} : vector<512x256xf32> to vector<512x128xf32>
    %slice3A_39 = vector.extract_strided_slice %min3A_37 {offsets = [0, 128], sizes = [512, 128], strides = [1, 1]} : vector<512x256xf32> to vector<512x128xf32>
    %lt3A_40 = arith.cmpf olt, %slice3A_39, %slice3A_38 : vector<512x128xf32>
    %slice3A_41 = vector.extract_strided_slice %select_n3A_36 {offsets = [0, 128], sizes = [512, 128], strides = [1, 1]} : vector<512x256xf32> to vector<512x128xf32>
    %add3A_42 = arith.constant 1.280000e+02 : f32
    %add3A_43 = vector.broadcast %add3A_42 : f32 to vector<512x128xf32>
    %add3A_44 = arith.addf %slice3A_41, %add3A_43 : vector<512x128xf32>
    %slice3A_45 = vector.extract_strided_slice %select_n3A_36 {offsets = [0, 0], sizes = [512, 128], strides = [1, 1]} : vector<512x256xf32> to vector<512x128xf32>
    %select_n3A_46 = arith.select %lt3A_40, %add3A_44, %slice3A_45 : vector<512x128xi1>, vector<512x128xf32>
    %min3A_47 = arith.minimumf %slice3A_38, %slice3A_39 : vector<512x128xf32>
    %add3A_48 = vector.broadcast %convert_element_type3A_14 : f32 to vector<512x128xf32>
    %add3A_49 = arith.addf %select_n3A_46, %add3A_48 : vector<512x128xf32>
    %get3A_50 = arith.constant 0 : index
    %get3A_51 = arith.constant 0 : index
    %get3A_52 = vector.load %arg6[%get3A_50, %get3A_51] : memref<4096x128xf32, #tpu.memory_space<vmem>>, vector<512x128xf32>
    %lt3A_53 = arith.cmpf olt, %min3A_47, %get3A_52 : vector<512x128xf32>
    %min3A_54 = arith.minimumf %min3A_47, %get3A_52 : vector<512x128xf32>
    %swap3A = arith.constant 0 : index
    %swap3A_55 = arith.constant 0 : index
    %swap3A_56 = vector.load %arg6[%swap3A, %swap3A_55] : memref<4096x128xf32, #tpu.memory_space<vmem>>, vector<512x128xf32>
    tpu.vector_store %arg6[%swap3A, %swap3A_55], %min3A_54 {strides = array<i32>} : memref<4096x128xf32, #tpu.memory_space<vmem>>, vector<512x128xf32>,
    %get3A_57 = arith.constant 0 : index
    %get3A_58 = arith.constant 0 : index
    %get3A_59 = vector.load %arg7[%get3A_57, %get3A_58] : memref<4096x128xf32, #tpu.memory_space<vmem>>, vector<512x128xf32>
    %select_n3A_60 = arith.select %lt3A_53, %add3A_49, %get3A_59 : vector<512x128xi1>, vector<512x128xf32>
    %swap3A_61 = arith.constant 0 : index
    %swap3A_62 = arith.constant 0 : index
    %swap3A_63 = vector.load %arg7[%swap3A_61, %swap3A_62] : memref<4096x128xf32, #tpu.memory_space<vmem>>, vector<512x128xf32>
    tpu.vector_store %arg7[%swap3A_61, %swap3A_62], %select_n3A_60 {strides = array<i32>} : memref<4096x128xf32, #tpu.memory_space<vmem>>, vector<512x128xf32>,
    %get3A_64 = arith.constant 512 : index
    %get3A_65 = arith.constant 0 : index
    %get3A_66 = vector.load %arg10[%get3A_64, %get3A_65] : memref<4096x256xf32, #tpu.memory_space<vmem>>, vector<512x256xf32>
    %dot_general3A_67 = arith.constant dense<0.000000e+00> : vector<512x1024xf32>
    %dot_general3A_68 = tpu.matmul %get3A_66, %get3A_1, %dot_general3A_67 {dimension_numbers = #tpu.dot_dimension_numbers<[1], [1], [0], [0], [0, 0, 1, 0], [], []>, transpose_lhs_hint = false} : vector<512x256xf32>, vector<1024x256xf32>, vector<512x1024xf32> -> vector<512x1024xf32>
    %get3A_69 = arith.constant 512 : index
    %get3A_70 = arith.constant 0 : index
    %get3A_71 = vector.load %arg8[%get3A_69, %get3A_70] : memref<4096x1xf32, #tpu.memory_space<vmem>>, vector<512x1xf32>
    %broadcast_in_dim3A_72 = vector.shape_cast %get3A_12 : vector<1024xf32> to vector<1x1024xf32>
    %add3A_73 = vector.broadcast %get3A_71 : vector<512x1xf32> to vector<512x1024xf32>
    %add3A_74 = vector.broadcast %broadcast_in_dim3A_72 : vector<1x1024xf32> to vector<512x1024xf32>
    %add3A_75 = arith.addf %add3A_73, %add3A_74 : vector<512x1024xf32>
    %sub3A_76 = arith.subf %add3A_75, %dot_general3A_68 : vector<512x1024xf32>
    %slice3A_77 = vector.extract_strided_slice %sub3A_76 {offsets = [0, 0], sizes = [512, 512], strides = [1, 1]} : vector<512x1024xf32> to vector<512x512xf32>
    %slice3A_78 = vector.extract_strided_slice %sub3A_76 {offsets = [0, 512], sizes = [512, 512], strides = [1, 1]} : vector<512x1024xf32> to vector<512x512xf32>
    %lt3A_79 = arith.cmpf olt, %slice3A_78, %slice3A_77 : vector<512x512xf32>
    %jit3A_80 = arith.constant 5.120000e+02 : f32
    %jit3A_81 = arith.constant 0.000000e+00 : f32
    %broadcast_in_dim3A_82 = vector.broadcast %jit3A_80 : f32 to vector<512x512xf32>
    %broadcast_in_dim3A_83 = vector.broadcast %jit3A_81 : f32 to vector<512x512xf32>
    %select_n3A_84 = arith.select %lt3A_79, %broadcast_in_dim3A_82, %broadcast_in_dim3A_83 : vector<512x512xi1>, vector<512x512xf32>
    %min3A_85 = arith.minimumf %slice3A_77, %slice3A_78 : vector<512x512xf32>
    %slice3A_86 = vector.extract_strided_slice %min3A_85 {offsets = [0, 0], sizes = [512, 256], strides = [1, 1]} : vector<512x512xf32> to vector<512x256xf32>
    %slice3A_87 = vector.extract_strided_slice %min3A_85 {offsets = [0, 256], sizes = [512, 256], strides = [1, 1]} : vector<512x512xf32> to vector<512x256xf32>
    %lt3A_88 = arith.cmpf olt, %slice3A_87, %slice3A_86 : vector<512x256xf32>
    %slice3A_89 = vector.extract_strided_slice %select_n3A_84 {offsets = [0, 256], sizes = [512, 256], strides = [1, 1]} : vector<512x512xf32> to vector<512x256xf32>
    %add3A_90 = arith.constant 2.560000e+02 : f32
    %add3A_91 = vector.broadcast %add3A_90 : f32 to vector<512x256xf32>
    %add3A_92 = arith.addf %slice3A_89, %add3A_91 : vector<512x256xf32>
    %slice3A_93 = vector.extract_strided_slice %select_n3A_84 {offsets = [0, 0], sizes = [512, 256], strides = [1, 1]} : vector<512x512xf32> to vector<512x256xf32>
    %select_n3A_94 = arith.select %lt3A_88, %add3A_92, %slice3A_93 : vector<512x256xi1>, vector<512x256xf32>
    %min3A_95 = arith.minimumf %slice3A_86, %slice3A_87 : vector<512x256xf32>
    %slice3A_96 = vector.extract_strided_slice %min3A_95 {offsets = [0, 0], sizes = [512, 128], strides = [1, 1]} : vector<512x256xf32> to vector<512x128xf32>
    %slice3A_97 = vector.extract_strided_slice %min3A_95 {offsets = [0, 128], sizes = [512, 128], strides = [1, 1]} : vector<512x256xf32> to vector<512x128xf32>
    %lt3A_98 = arith.cmpf olt, %slice3A_97, %slice3A_96 : vector<512x128xf32>
    %slice3A_99 = vector.extract_strided_slice %select_n3A_94 {offsets = [0, 128], sizes = [512, 128], strides = [1, 1]} : vector<512x256xf32> to vector<512x128xf32>
    %add3A_100 = arith.constant 1.280000e+02 : f32
    %add3A_101 = vector.broadcast %add3A_100 : f32 to vector<512x128xf32>
    %add3A_102 = arith.addf %slice3A_99, %add3A_101 : vector<512x128xf32>
    %slice3A_103 = vector.extract_strided_slice %select_n3A_94 {offsets = [0, 0], sizes = [512, 128], strides = [1, 1]} : vector<512x256xf32> to vector<512x128xf32>
    %select_n3A_104 = arith.select %lt3A_98, %add3A_102, %slice3A_103 : vector<512x128xi1>, vector<512x128xf32>
    %min3A_105 = arith.minimumf %slice3A_96, %slice3A_97 : vector<512x128xf32>
    %add3A_106 = vector.broadcast %convert_element_type3A_14 : f32 to vector<512x128xf32>
    %add3A_107 = arith.addf %select_n3A_104, %add3A_106 : vector<512x128xf32>
    %get3A_108 = arith.constant 512 : index
    %get3A_109 = arith.constant 0 : index
    %get3A_110 = vector.load %arg6[%get3A_108, %get3A_109] : memref<4096x128xf32, #tpu.memory_space<vmem>>, vector<512x128xf32>
    %lt3A_111 = arith.cmpf olt, %min3A_105, %get3A_110 : vector<512x128xf32>
    %min3A_112 = arith.minimumf %min3A_105, %get3A_110 : vector<512x128xf32>
    %swap3A_113 = arith.constant 512 : index
    %swap3A_114 = arith.constant 0 : index
    %swap3A_115 = vector.load %arg6[%swap3A_113, %swap3A_114] : memref<4096x128xf32, #tpu.memory_space<vmem>>, vector<512x128xf32>
    tpu.vector_store %arg6[%swap3A_113, %swap3A_114], %min3A_112 {strides = array<i32>} : memref<4096x128xf32, #tpu.memory_space<vmem>>, vector<512x128xf32>,
    %get3A_116 = arith.constant 512 : index
    %get3A_117 = arith.constant 0 : index
    %get3A_118 = vector.load %arg7[%get3A_116, %get3A_117] : memref<4096x128xf32, #tpu.memory_space<vmem>>, vector<512x128xf32>
    %select_n3A_119 = arith.select %lt3A_111, %add3A_107, %get3A_118 : vector<512x128xi1>, vector<512x128xf32>
    %swap3A_120 = arith.constant 512 : index
    %swap3A_121 = arith.constant 0 : index
    %swap3A_122 = vector.load %arg7[%swap3A_120, %swap3A_121] : memref<4096x128xf32, #tpu.memory_space<vmem>>, vector<512x128xf32>
    tpu.vector_store %arg7[%swap3A_120, %swap3A_121], %select_n3A_119 {strides = array<i32>} : memref<4096x128xf32, #tpu.memory_space<vmem>>, vector<512x128xf32>,
    %get3A_123 = arith.constant 1024 : index
    %get3A_124 = arith.constant 0 : index
    %get3A_125 = vector.load %arg10[%get3A_123, %get3A_124] : memref<4096x256xf32, #tpu.memory_space<vmem>>, vector<512x256xf32>
    %dot_general3A_126 = arith.constant dense<0.000000e+00> : vector<512x1024xf32>
    %dot_general3A_127 = tpu.matmul %get3A_125, %get3A_1, %dot_general3A_126 {dimension_numbers = #tpu.dot_dimension_numbers<[1], [1], [0], [0], [0, 0, 1, 0], [], []>, transpose_lhs_hint = false} : vector<512x256xf32>, vector<1024x256xf32>, vector<512x1024xf32> -> vector<512x1024xf32>
    %get3A_128 = arith.constant 1024 : index
    %get3A_129 = arith.constant 0 : index
    %get3A_130 = vector.load %arg8[%get3A_128, %get3A_129] : memref<4096x1xf32, #tpu.memory_space<vmem>>, vector<512x1xf32>
    %broadcast_in_dim3A_131 = vector.shape_cast %get3A_12 : vector<1024xf32> to vector<1x1024xf32>
    %add3A_132 = vector.broadcast %get3A_130 : vector<512x1xf32> to vector<512x1024xf32>
    %add3A_133 = vector.broadcast %broadcast_in_dim3A_131 : vector<1x1024xf32> to vector<512x1024xf32>
    %add3A_134 = arith.addf %add3A_132, %add3A_133 : vector<512x1024xf32>
    %sub3A_135 = arith.subf %add3A_134, %dot_general3A_127 : vector<512x1024xf32>
    %slice3A_136 = vector.extract_strided_slice %sub3A_135 {offsets = [0, 0], sizes = [512, 512], strides = [1, 1]} : vector<512x1024xf32> to vector<512x512xf32>
    %slice3A_137 = vector.extract_strided_slice %sub3A_135 {offsets = [0, 512], sizes = [512, 512], strides = [1, 1]} : vector<512x1024xf32> to vector<512x512xf32>
    %lt3A_138 = arith.cmpf olt, %slice3A_137, %slice3A_136 : vector<512x512xf32>
    %jit3A_139 = arith.constant 5.120000e+02 : f32
    %jit3A_140 = arith.constant 0.000000e+00 : f32
    %broadcast_in_dim3A_141 = vector.broadcast %jit3A_139 : f32 to vector<512x512xf32>
    %broadcast_in_dim3A_142 = vector.broadcast %jit3A_140 : f32 to vector<512x512xf32>
    %select_n3A_143 = arith.select %lt3A_138, %broadcast_in_dim3A_141, %broadcast_in_dim3A_142 : vector<512x512xi1>, vector<512x512xf32>
    %min3A_144 = arith.minimumf %slice3A_136, %slice3A_137 : vector<512x512xf32>
    %slice3A_145 = vector.extract_strided_slice %min3A_144 {offsets = [0, 0], sizes = [512, 256], strides = [1, 1]} : vector<512x512xf32> to vector<512x256xf32>
    %slice3A_146 = vector.extract_strided_slice %min3A_144 {offsets = [0, 256], sizes = [512, 256], strides = [1, 1]} : vector<512x512xf32> to vector<512x256xf32>
    %lt3A_147 = arith.cmpf olt, %slice3A_146, %slice3A_145 : vector<512x256xf32>
    %slice3A_148 = vector.extract_strided_slice %select_n3A_143 {offsets = [0, 256], sizes = [512, 256], strides = [1, 1]} : vector<512x512xf32> to vector<512x256xf32>
    %add3A_149 = arith.constant 2.560000e+02 : f32
    %add3A_150 = vector.broadcast %add3A_149 : f32 to vector<512x256xf32>
    %add3A_151 = arith.addf %slice3A_148, %add3A_150 : vector<512x256xf32>
    %slice3A_152 = vector.extract_strided_slice %select_n3A_143 {offsets = [0, 0], sizes = [512, 256], strides = [1, 1]} : vector<512x512xf32> to vector<512x256xf32>
    %select_n3A_153 = arith.select %lt3A_147, %add3A_151, %slice3A_152 : vector<512x256xi1>, vector<512x256xf32>
    %min3A_154 = arith.minimumf %slice3A_145, %slice3A_146 : vector<512x256xf32>
    %slice3A_155 = vector.extract_strided_slice %min3A_154 {offsets = [0, 0], sizes = [512, 128], strides = [1, 1]} : vector<512x256xf32> to vector<512x128xf32>
    %slice3A_156 = vector.extract_strided_slice %min3A_154 {offsets = [0, 128], sizes = [512, 128], strides = [1, 1]} : vector<512x256xf32> to vector<512x128xf32>
    %lt3A_157 = arith.cmpf olt, %slice3A_156, %slice3A_155 : vector<512x128xf32>
    %slice3A_158 = vector.extract_strided_slice %select_n3A_153 {offsets = [0, 128], sizes = [512, 128], strides = [1, 1]} : vector<512x256xf32> to vector<512x128xf32>
    %add3A_159 = arith.constant 1.280000e+02 : f32
    %add3A_160 = vector.broadcast %add3A_159 : f32 to vector<512x128xf32>
    %add3A_161 = arith.addf %slice3A_158, %add3A_160 : vector<512x128xf32>
    %slice3A_162 = vector.extract_strided_slice %select_n3A_153 {offsets = [0, 0], sizes = [512, 128], strides = [1, 1]} : vector<512x256xf32> to vector<512x128xf32>
    %select_n3A_163 = arith.select %lt3A_157, %add3A_161, %slice3A_162 : vector<512x128xi1>, vector<512x128xf32>
    %min3A_164 = arith.minimumf %slice3A_155, %slice3A_156 : vector<512x128xf32>
    %add3A_165 = vector.broadcast %convert_element_type3A_14 : f32 to vector<512x128xf32>
    %add3A_166 = arith.addf %select_n3A_163, %add3A_165 : vector<512x128xf32>
    %get3A_167 = arith.constant 1024 : index
    %get3A_168 = arith.constant 0 : index
    %get3A_169 = vector.load %arg6[%get3A_167, %get3A_168] : memref<4096x128xf32, #tpu.memory_space<vmem>>, vector<512x128xf32>
    %lt3A_170 = arith.cmpf olt, %min3A_164, %get3A_169 : vector<512x128xf32>
    %min3A_171 = arith.minimumf %min3A_164, %get3A_169 : vector<512x128xf32>
    %swap3A_172 = arith.constant 1024 : index
    %swap3A_173 = arith.constant 0 : index
    %swap3A_174 = vector.load %arg6[%swap3A_172, %swap3A_173] : memref<4096x128xf32, #tpu.memory_space<vmem>>, vector<512x128xf32>
    tpu.vector_store %arg6[%swap3A_172, %swap3A_173], %min3A_171 {strides = array<i32>} : memref<4096x128xf32, #tpu.memory_space<vmem>>, vector<512x128xf32>,
    %get3A_175 = arith.constant 1024 : index
    %get3A_176 = arith.constant 0 : index
    %get3A_177 = vector.load %arg7[%get3A_175, %get3A_176] : memref<4096x128xf32, #tpu.memory_space<vmem>>, vector<512x128xf32>
    %select_n3A_178 = arith.select %lt3A_170, %add3A_166, %get3A_177 : vector<512x128xi1>, vector<512x128xf32>
    %swap3A_179 = arith.constant 1024 : index
    %swap3A_180 = arith.constant 0 : index
    %swap3A_181 = vector.load %arg7[%swap3A_179, %swap3A_180] : memref<4096x128xf32, #tpu.memory_space<vmem>>, vector<512x128xf32>
    tpu.vector_store %arg7[%swap3A_179, %swap3A_180], %select_n3A_178 {strides = array<i32>} : memref<4096x128xf32, #tpu.memory_space<vmem>>, vector<512x128xf32>,
    %get3A_182 = arith.constant 1536 : index
    %get3A_183 = arith.constant 0 : index
    %get3A_184 = vector.load %arg10[%get3A_182, %get3A_183] : memref<4096x256xf32, #tpu.memory_space<vmem>>, vector<512x256xf32>
    %dot_general3A_185 = arith.constant dense<0.000000e+00> : vector<512x1024xf32>
    %dot_general3A_186 = tpu.matmul %get3A_184, %get3A_1, %dot_general3A_185 {dimension_numbers = #tpu.dot_dimension_numbers<[1], [1], [0], [0], [0, 0, 1, 0], [], []>, transpose_lhs_hint = false} : vector<512x256xf32>, vector<1024x256xf32>, vector<512x1024xf32> -> vector<512x1024xf32>
    %get3A_187 = arith.constant 1536 : index
    %get3A_188 = arith.constant 0 : index
    %get3A_189 = vector.load %arg8[%get3A_187, %get3A_188] : memref<4096x1xf32, #tpu.memory_space<vmem>>, vector<512x1xf32>
    %broadcast_in_dim3A_190 = vector.shape_cast %get3A_12 : vector<1024xf32> to vector<1x1024xf32>
    %add3A_191 = vector.broadcast %get3A_189 : vector<512x1xf32> to vector<512x1024xf32>
    %add3A_192 = vector.broadcast %broadcast_in_dim3A_190 : vector<1x1024xf32> to vector<512x1024xf32>
    %add3A_193 = arith.addf %add3A_191, %add3A_192 : vector<512x1024xf32>
    %sub3A_194 = arith.subf %add3A_193, %dot_general3A_186 : vector<512x1024xf32>
    %slice3A_195 = vector.extract_strided_slice %sub3A_194 {offsets = [0, 0], sizes = [512, 512], strides = [1, 1]} : vector<512x1024xf32> to vector<512x512xf32>
    %slice3A_196 = vector.extract_strided_slice %sub3A_194 {offsets = [0, 512], sizes = [512, 512], strides = [1, 1]} : vector<512x1024xf32> to vector<512x512xf32>
    %lt3A_197 = arith.cmpf olt, %slice3A_196, %slice3A_195 : vector<512x512xf32>
    %jit3A_198 = arith.constant 5.120000e+02 : f32
    %jit3A_199 = arith.constant 0.000000e+00 : f32
    %broadcast_in_dim3A_200 = vector.broadcast %jit3A_198 : f32 to vector<512x512xf32>
    %broadcast_in_dim3A_201 = vector.broadcast %jit3A_199 : f32 to vector<512x512xf32>
    %select_n3A_202 = arith.select %lt3A_197, %broadcast_in_dim3A_200, %broadcast_in_dim3A_201 : vector<512x512xi1>, vector<512x512xf32>
    %min3A_203 = arith.minimumf %slice3A_195, %slice3A_196 : vector<512x512xf32>
    %slice3A_204 = vector.extract_strided_slice %min3A_203 {offsets = [0, 0], sizes = [512, 256], strides = [1, 1]} : vector<512x512xf32> to vector<512x256xf32>
    %slice3A_205 = vector.extract_strided_slice %min3A_203 {offsets = [0, 256], sizes = [512, 256], strides = [1, 1]} : vector<512x512xf32> to vector<512x256xf32>
    %lt3A_206 = arith.cmpf olt, %slice3A_205, %slice3A_204 : vector<512x256xf32>
    %slice3A_207 = vector.extract_strided_slice %select_n3A_202 {offsets = [0, 256], sizes = [512, 256], strides = [1, 1]} : vector<512x512xf32> to vector<512x256xf32>
    %add3A_208 = arith.constant 2.560000e+02 : f32
    %add3A_209 = vector.broadcast %add3A_208 : f32 to vector<512x256xf32>
    %add3A_210 = arith.addf %slice3A_207, %add3A_209 : vector<512x256xf32>
    %slice3A_211 = vector.extract_strided_slice %select_n3A_202 {offsets = [0, 0], sizes = [512, 256], strides = [1, 1]} : vector<512x512xf32> to vector<512x256xf32>
    %select_n3A_212 = arith.select %lt3A_206, %add3A_210, %slice3A_211 : vector<512x256xi1>, vector<512x256xf32>
    %min3A_213 = arith.minimumf %slice3A_204, %slice3A_205 : vector<512x256xf32>
    %slice3A_214 = vector.extract_strided_slice %min3A_213 {offsets = [0, 0], sizes = [512, 128], strides = [1, 1]} : vector<512x256xf32> to vector<512x128xf32>
    %slice3A_215 = vector.extract_strided_slice %min3A_213 {offsets = [0, 128], sizes = [512, 128], strides = [1, 1]} : vector<512x256xf32> to vector<512x128xf32>
    %lt3A_216 = arith.cmpf olt, %slice3A_215, %slice3A_214 : vector<512x128xf32>
    %slice3A_217 = vector.extract_strided_slice %select_n3A_212 {offsets = [0, 128], sizes = [512, 128], strides = [1, 1]} : vector<512x256xf32> to vector<512x128xf32>
    %add3A_218 = arith.constant 1.280000e+02 : f32
    %add3A_219 = vector.broadcast %add3A_218 : f32 to vector<512x128xf32>
    %add3A_220 = arith.addf %slice3A_217, %add3A_219 : vector<512x128xf32>
    %slice3A_221 = vector.extract_strided_slice %select_n3A_212 {offsets = [0, 0], sizes = [512, 128], strides = [1, 1]} : vector<512x256xf32> to vector<512x128xf32>
    %select_n3A_222 = arith.select %lt3A_216, %add3A_220, %slice3A_221 : vector<512x128xi1>, vector<512x128xf32>
    %min3A_223 = arith.minimumf %slice3A_214, %slice3A_215 : vector<512x128xf32>
    %add3A_224 = vector.broadcast %convert_element_type3A_14 : f32 to vector<512x128xf32>
    %add3A_225 = arith.addf %select_n3A_222, %add3A_224 : vector<512x128xf32>
    %get3A_226 = arith.constant 1536 : index
    %get3A_227 = arith.constant 0 : index
    %get3A_228 = vector.load %arg6[%get3A_226, %get3A_227] : memref<4096x128xf32, #tpu.memory_space<vmem>>, vector<512x128xf32>
    %lt3A_229 = arith.cmpf olt, %min3A_223, %get3A_228 : vector<512x128xf32>
    %min3A_230 = arith.minimumf %min3A_223, %get3A_228 : vector<512x128xf32>
    %swap3A_231 = arith.constant 1536 : index
    %swap3A_232 = arith.constant 0 : index
    %swap3A_233 = vector.load %arg6[%swap3A_231, %swap3A_232] : memref<4096x128xf32, #tpu.memory_space<vmem>>, vector<512x128xf32>
    tpu.vector_store %arg6[%swap3A_231, %swap3A_232], %min3A_230 {strides = array<i32>} : memref<4096x128xf32, #tpu.memory_space<vmem>>, vector<512x128xf32>,
    %get3A_234 = arith.constant 1536 : index
    %get3A_235 = arith.constant 0 : index
    %get3A_236 = vector.load %arg7[%get3A_234, %get3A_235] : memref<4096x128xf32, #tpu.memory_space<vmem>>, vector<512x128xf32>
    %select_n3A_237 = arith.select %lt3A_229, %add3A_225, %get3A_236 : vector<512x128xi1>, vector<512x128xf32>
    %swap3A_238 = arith.constant 1536 : index
    %swap3A_239 = arith.constant 0 : index
    %swap3A_240 = vector.load %arg7[%swap3A_238, %swap3A_239] : memref<4096x128xf32, #tpu.memory_space<vmem>>, vector<512x128xf32>
    tpu.vector_store %arg7[%swap3A_238, %swap3A_239], %select_n3A_237 {strides = array<i32>} : memref<4096x128xf32, #tpu.memory_space<vmem>>, vector<512x128xf32>,
    %get3A_241 = arith.constant 2048 : index
    %get3A_242 = arith.constant 0 : index
    %get3A_243 = vector.load %arg10[%get3A_241, %get3A_242] : memref<4096x256xf32, #tpu.memory_space<vmem>>, vector<512x256xf32>
    %dot_general3A_244 = arith.constant dense<0.000000e+00> : vector<512x1024xf32>
    %dot_general3A_245 = tpu.matmul %get3A_243, %get3A_1, %dot_general3A_244 {dimension_numbers = #tpu.dot_dimension_numbers<[1], [1], [0], [0], [0, 0, 1, 0], [], []>, transpose_lhs_hint = false} : vector<512x256xf32>, vector<1024x256xf32>, vector<512x1024xf32> -> vector<512x1024xf32>
    %get3A_246 = arith.constant 2048 : index
    %get3A_247 = arith.constant 0 : index
    %get3A_248 = vector.load %arg8[%get3A_246, %get3A_247] : memref<4096x1xf32, #tpu.memory_space<vmem>>, vector<512x1xf32>
    %broadcast_in_dim3A_249 = vector.shape_cast %get3A_12 : vector<1024xf32> to vector<1x1024xf32>
    %add3A_250 = vector.broadcast %get3A_248 : vector<512x1xf32> to vector<512x1024xf32>
    %add3A_251 = vector.broadcast %broadcast_in_dim3A_249 : vector<1x1024xf32> to vector<512x1024xf32>
    %add3A_252 = arith.addf %add3A_250, %add3A_251 : vector<512x1024xf32>
    %sub3A_253 = arith.subf %add3A_252, %dot_general3A_245 : vector<512x1024xf32>
    %slice3A_254 = vector.extract_strided_slice %sub3A_253 {offsets = [0, 0], sizes = [512, 512], strides = [1, 1]} : vector<512x1024xf32> to vector<512x512xf32>
    %slice3A_255 = vector.extract_strided_slice %sub3A_253 {offsets = [0, 512], sizes = [512, 512], strides = [1, 1]} : vector<512x1024xf32> to vector<512x512xf32>
    %lt3A_256 = arith.cmpf olt, %slice3A_255, %slice3A_254 : vector<512x512xf32>
    %jit3A_257 = arith.constant 5.120000e+02 : f32
    %jit3A_258 = arith.constant 0.000000e+00 : f32
    %broadcast_in_dim3A_259 = vector.broadcast %jit3A_257 : f32 to vector<512x512xf32>
    %broadcast_in_dim3A_260 = vector.broadcast %jit3A_258 : f32 to vector<512x512xf32>
    %select_n3A_261 = arith.select %lt3A_256, %broadcast_in_dim3A_259, %broadcast_in_dim3A_260 : vector<512x512xi1>, vector<512x512xf32>
    %min3A_262 = arith.minimumf %slice3A_254, %slice3A_255 : vector<512x512xf32>
    %slice3A_263 = vector.extract_strided_slice %min3A_262 {offsets = [0, 0], sizes = [512, 256], strides = [1, 1]} : vector<512x512xf32> to vector<512x256xf32>
    %slice3A_264 = vector.extract_strided_slice %min3A_262 {offsets = [0, 256], sizes = [512, 256], strides = [1, 1]} : vector<512x512xf32> to vector<512x256xf32>
    %lt3A_265 = arith.cmpf olt, %slice3A_264, %slice3A_263 : vector<512x256xf32>
    %slice3A_266 = vector.extract_strided_slice %select_n3A_261 {offsets = [0, 256], sizes = [512, 256], strides = [1, 1]} : vector<512x512xf32> to vector<512x256xf32>
    %add3A_267 = arith.constant 2.560000e+02 : f32
    %add3A_268 = vector.broadcast %add3A_267 : f32 to vector<512x256xf32>
    %add3A_269 = arith.addf %slice3A_266, %add3A_268 : vector<512x256xf32>
    %slice3A_270 = vector.extract_strided_slice %select_n3A_261 {offsets = [0, 0], sizes = [512, 256], strides = [1, 1]} : vector<512x512xf32> to vector<512x256xf32>
    %select_n3A_271 = arith.select %lt3A_265, %add3A_269, %slice3A_270 : vector<512x256xi1>, vector<512x256xf32>
    %min3A_272 = arith.minimumf %slice3A_263, %slice3A_264 : vector<512x256xf32>
    %slice3A_273 = vector.extract_strided_slice %min3A_272 {offsets = [0, 0], sizes = [512, 128], strides = [1, 1]} : vector<512x256xf32> to vector<512x128xf32>
    %slice3A_274 = vector.extract_strided_slice %min3A_272 {offsets = [0, 128], sizes = [512, 128], strides = [1, 1]} : vector<512x256xf32> to vector<512x128xf32>
    %lt3A_275 = arith.cmpf olt, %slice3A_274, %slice3A_273 : vector<512x128xf32>
    %slice3A_276 = vector.extract_strided_slice %select_n3A_271 {offsets = [0, 128], sizes = [512, 128], strides = [1, 1]} : vector<512x256xf32> to vector<512x128xf32>
    %add3A_277 = arith.constant 1.280000e+02 : f32
    %add3A_278 = vector.broadcast %add3A_277 : f32 to vector<512x128xf32>
    %add3A_279 = arith.addf %slice3A_276, %add3A_278 : vector<512x128xf32>
    %slice3A_280 = vector.extract_strided_slice %select_n3A_271 {offsets = [0, 0], sizes = [512, 128], strides = [1, 1]} : vector<512x256xf32> to vector<512x128xf32>
    %select_n3A_281 = arith.select %lt3A_275, %add3A_279, %slice3A_280 : vector<512x128xi1>, vector<512x128xf32>
    %min3A_282 = arith.minimumf %slice3A_273, %slice3A_274 : vector<512x128xf32>
    %add3A_283 = vector.broadcast %convert_element_type3A_14 : f32 to vector<512x128xf32>
    %add3A_284 = arith.addf %select_n3A_281, %add3A_283 : vector<512x128xf32>
    %get3A_285 = arith.constant 2048 : index
    %get3A_286 = arith.constant 0 : index
    %get3A_287 = vector.load %arg6[%get3A_285, %get3A_286] : memref<4096x128xf32, #tpu.memory_space<vmem>>, vector<512x128xf32>
    %lt3A_288 = arith.cmpf olt, %min3A_282, %get3A_287 : vector<512x128xf32>
    %min3A_289 = arith.minimumf %min3A_282, %get3A_287 : vector<512x128xf32>
    %swap3A_290 = arith.constant 2048 : index
    %swap3A_291 = arith.constant 0 : index
    %swap3A_292 = vector.load %arg6[%swap3A_290, %swap3A_291] : memref<4096x128xf32, #tpu.memory_space<vmem>>, vector<512x128xf32>
    tpu.vector_store %arg6[%swap3A_290, %swap3A_291], %min3A_289 {strides = array<i32>} : memref<4096x128xf32, #tpu.memory_space<vmem>>, vector<512x128xf32>,
    %get3A_293 = arith.constant 2048 : index
    %get3A_294 = arith.constant 0 : index
    %get3A_295 = vector.load %arg7[%get3A_293, %get3A_294] : memref<4096x128xf32, #tpu.memory_space<vmem>>, vector<512x128xf32>
    %select_n3A_296 = arith.select %lt3A_288, %add3A_284, %get3A_295 : vector<512x128xi1>, vector<512x128xf32>
    %swap3A_297 = arith.constant 2048 : index
    %swap3A_298 = arith.constant 0 : index
    %swap3A_299 = vector.load %arg7[%swap3A_297, %swap3A_298] : memref<4096x128xf32, #tpu.memory_space<vmem>>, vector<512x128xf32>
    tpu.vector_store %arg7[%swap3A_297, %swap3A_298], %select_n3A_296 {strides = array<i32>} : memref<4096x128xf32, #tpu.memory_space<vmem>>, vector<512x128xf32>,
    %get3A_300 = arith.constant 2560 : index
    %get3A_301 = arith.constant 0 : index
    %get3A_302 = vector.load %arg10[%get3A_300, %get3A_301] : memref<4096x256xf32, #tpu.memory_space<vmem>>, vector<512x256xf32>
    %dot_general3A_303 = arith.constant dense<0.000000e+00> : vector<512x1024xf32>
    %dot_general3A_304 = tpu.matmul %get3A_302, %get3A_1, %dot_general3A_303 {dimension_numbers = #tpu.dot_dimension_numbers<[1], [1], [0], [0], [0, 0, 1, 0], [], []>, transpose_lhs_hint = false} : vector<512x256xf32>, vector<1024x256xf32>, vector<512x1024xf32> -> vector<512x1024xf32>
    %get3A_305 = arith.constant 2560 : index
    %get3A_306 = arith.constant 0 : index
    %get3A_307 = vector.load %arg8[%get3A_305, %get3A_306] : memref<4096x1xf32, #tpu.memory_space<vmem>>, vector<512x1xf32>
    %broadcast_in_dim3A_308 = vector.shape_cast %get3A_12 : vector<1024xf32> to vector<1x1024xf32>
    %add3A_309 = vector.broadcast %get3A_307 : vector<512x1xf32> to vector<512x1024xf32>
    %add3A_310 = vector.broadcast %broadcast_in_dim3A_308 : vector<1x1024xf32> to vector<512x1024xf32>
    %add3A_311 = arith.addf %add3A_309, %add3A_310 : vector<512x1024xf32>
    %sub3A_312 = arith.subf %add3A_311, %dot_general3A_304 : vector<512x1024xf32>
    %slice3A_313 = vector.extract_strided_slice %sub3A_312 {offsets = [0, 0], sizes = [512, 512], strides = [1, 1]} : vector<512x1024xf32> to vector<512x512xf32>
    %slice3A_314 = vector.extract_strided_slice %sub3A_312 {offsets = [0, 512], sizes = [512, 512], strides = [1, 1]} : vector<512x1024xf32> to vector<512x512xf32>
    %lt3A_315 = arith.cmpf olt, %slice3A_314, %slice3A_313 : vector<512x512xf32>
    %jit3A_316 = arith.constant 5.120000e+02 : f32
    %jit3A_317 = arith.constant 0.000000e+00 : f32
    %broadcast_in_dim3A_318 = vector.broadcast %jit3A_316 : f32 to vector<512x512xf32>
    %broadcast_in_dim3A_319 = vector.broadcast %jit3A_317 : f32 to vector<512x512xf32>
    %select_n3A_320 = arith.select %lt3A_315, %broadcast_in_dim3A_318, %broadcast_in_dim3A_319 : vector<512x512xi1>, vector<512x512xf32>
    %min3A_321 = arith.minimumf %slice3A_313, %slice3A_314 : vector<512x512xf32>
    %slice3A_322 = vector.extract_strided_slice %min3A_321 {offsets = [0, 0], sizes = [512, 256], strides = [1, 1]} : vector<512x512xf32> to vector<512x256xf32>
    %slice3A_323 = vector.extract_strided_slice %min3A_321 {offsets = [0, 256], sizes = [512, 256], strides = [1, 1]} : vector<512x512xf32> to vector<512x256xf32>
    %lt3A_324 = arith.cmpf olt, %slice3A_323, %slice3A_322 : vector<512x256xf32>
    %slice3A_325 = vector.extract_strided_slice %select_n3A_320 {offsets = [0, 256], sizes = [512, 256], strides = [1, 1]} : vector<512x512xf32> to vector<512x256xf32>
    %add3A_326 = arith.constant 2.560000e+02 : f32
    %add3A_327 = vector.broadcast %add3A_326 : f32 to vector<512x256xf32>
    %add3A_328 = arith.addf %slice3A_325, %add3A_327 : vector<512x256xf32>
    %slice3A_329 = vector.extract_strided_slice %select_n3A_320 {offsets = [0, 0], sizes = [512, 256], strides = [1, 1]} : vector<512x512xf32> to vector<512x256xf32>
    %select_n3A_330 = arith.select %lt3A_324, %add3A_328, %slice3A_329 : vector<512x256xi1>, vector<512x256xf32>
    %min3A_331 = arith.minimumf %slice3A_322, %slice3A_323 : vector<512x256xf32>
    %slice3A_332 = vector.extract_strided_slice %min3A_331 {offsets = [0, 0], sizes = [512, 128], strides = [1, 1]} : vector<512x256xf32> to vector<512x128xf32>
    %slice3A_333 = vector.extract_strided_slice %min3A_331 {offsets = [0, 128], sizes = [512, 128], strides = [1, 1]} : vector<512x256xf32> to vector<512x128xf32>
    %lt3A_334 = arith.cmpf olt, %slice3A_333, %slice3A_332 : vector<512x128xf32>
    %slice3A_335 = vector.extract_strided_slice %select_n3A_330 {offsets = [0, 128], sizes = [512, 128], strides = [1, 1]} : vector<512x256xf32> to vector<512x128xf32>
    %add3A_336 = arith.constant 1.280000e+02 : f32
    %add3A_337 = vector.broadcast %add3A_336 : f32 to vector<512x128xf32>
    %add3A_338 = arith.addf %slice3A_335, %add3A_337 : vector<512x128xf32>
    %slice3A_339 = vector.extract_strided_slice %select_n3A_330 {offsets = [0, 0], sizes = [512, 128], strides = [1, 1]} : vector<512x256xf32> to vector<512x128xf32>
    %select_n3A_340 = arith.select %lt3A_334, %add3A_338, %slice3A_339 : vector<512x128xi1>, vector<512x128xf32>
    %min3A_341 = arith.minimumf %slice3A_332, %slice3A_333 : vector<512x128xf32>
    %add3A_342 = vector.broadcast %convert_element_type3A_14 : f32 to vector<512x128xf32>
    %add3A_343 = arith.addf %select_n3A_340, %add3A_342 : vector<512x128xf32>
    %get3A_344 = arith.constant 2560 : index
    %get3A_345 = arith.constant 0 : index
    %get3A_346 = vector.load %arg6[%get3A_344, %get3A_345] : memref<4096x128xf32, #tpu.memory_space<vmem>>, vector<512x128xf32>
    %lt3A_347 = arith.cmpf olt, %min3A_341, %get3A_346 : vector<512x128xf32>
    %min3A_348 = arith.minimumf %min3A_341, %get3A_346 : vector<512x128xf32>
    %swap3A_349 = arith.constant 2560 : index
    %swap3A_350 = arith.constant 0 : index
    %swap3A_351 = vector.load %arg6[%swap3A_349, %swap3A_350] : memref<4096x128xf32, #tpu.memory_space<vmem>>, vector<512x128xf32>
    tpu.vector_store %arg6[%swap3A_349, %swap3A_350], %min3A_348 {strides = array<i32>} : memref<4096x128xf32, #tpu.memory_space<vmem>>, vector<512x128xf32>,
    %get3A_352 = arith.constant 2560 : index
    %get3A_353 = arith.constant 0 : index
    %get3A_354 = vector.load %arg7[%get3A_352, %get3A_353] : memref<4096x128xf32, #tpu.memory_space<vmem>>, vector<512x128xf32>
    %select_n3A_355 = arith.select %lt3A_347, %add3A_343, %get3A_354 : vector<512x128xi1>, vector<512x128xf32>
    %swap3A_356 = arith.constant 2560 : index
    %swap3A_357 = arith.constant 0 : index
    %swap3A_358 = vector.load %arg7[%swap3A_356, %swap3A_357] : memref<4096x128xf32, #tpu.memory_space<vmem>>, vector<512x128xf32>
    tpu.vector_store %arg7[%swap3A_356, %swap3A_357], %select_n3A_355 {strides = array<i32>} : memref<4096x128xf32, #tpu.memory_space<vmem>>, vector<512x128xf32>,
    %get3A_359 = arith.constant 3072 : index
    %get3A_360 = arith.constant 0 : index
    %get3A_361 = vector.load %arg10[%get3A_359, %get3A_360] : memref<4096x256xf32, #tpu.memory_space<vmem>>, vector<512x256xf32>
    %dot_general3A_362 = arith.constant dense<0.000000e+00> : vector<512x1024xf32>
    %dot_general3A_363 = tpu.matmul %get3A_361, %get3A_1, %dot_general3A_362 {dimension_numbers = #tpu.dot_dimension_numbers<[1], [1], [0], [0], [0, 0, 1, 0], [], []>, transpose_lhs_hint = false} : vector<512x256xf32>, vector<1024x256xf32>, vector<512x1024xf32> -> vector<512x1024xf32>
    %get3A_364 = arith.constant 3072 : index
    %get3A_365 = arith.constant 0 : index
    %get3A_366 = vector.load %arg8[%get3A_364, %get3A_365] : memref<4096x1xf32, #tpu.memory_space<vmem>>, vector<512x1xf32>
    %broadcast_in_dim3A_367 = vector.shape_cast %get3A_12 : vector<1024xf32> to vector<1x1024xf32>
    %add3A_368 = vector.broadcast %get3A_366 : vector<512x1xf32> to vector<512x1024xf32>
    %add3A_369 = vector.broadcast %broadcast_in_dim3A_367 : vector<1x1024xf32> to vector<512x1024xf32>
    %add3A_370 = arith.addf %add3A_368, %add3A_369 : vector<512x1024xf32>
    %sub3A_371 = arith.subf %add3A_370, %dot_general3A_363 : vector<512x1024xf32>
    %slice3A_372 = vector.extract_strided_slice %sub3A_371 {offsets = [0, 0], sizes = [512, 512], strides = [1, 1]} : vector<512x1024xf32> to vector<512x512xf32>
    %slice3A_373 = vector.extract_strided_slice %sub3A_371 {offsets = [0, 512], sizes = [512, 512], strides = [1, 1]} : vector<512x1024xf32> to vector<512x512xf32>
    %lt3A_374 = arith.cmpf olt, %slice3A_373, %slice3A_372 : vector<512x512xf32>
    %jit3A_375 = arith.constant 5.120000e+02 : f32
    %jit3A_376 = arith.constant 0.000000e+00 : f32
    %broadcast_in_dim3A_377 = vector.broadcast %jit3A_375 : f32 to vector<512x512xf32>
    %broadcast_in_dim3A_378 = vector.broadcast %jit3A_376 : f32 to vector<512x512xf32>
    %select_n3A_379 = arith.select %lt3A_374, %broadcast_in_dim3A_377, %broadcast_in_dim3A_378 : vector<512x512xi1>, vector<512x512xf32>
    %min3A_380 = arith.minimumf %slice3A_372, %slice3A_373 : vector<512x512xf32>
    %slice3A_381 = vector.extract_strided_slice %min3A_380 {offsets = [0, 0], sizes = [512, 256], strides = [1, 1]} : vector<512x512xf32> to vector<512x256xf32>
    %slice3A_382 = vector.extract_strided_slice %min3A_380 {offsets = [0, 256], sizes = [512, 256], strides = [1, 1]} : vector<512x512xf32> to vector<512x256xf32>
    %lt3A_383 = arith.cmpf olt, %slice3A_382, %slice3A_381 : vector<512x256xf32>
    %slice3A_384 = vector.extract_strided_slice %select_n3A_379 {offsets = [0, 256], sizes = [512, 256], strides = [1, 1]} : vector<512x512xf32> to vector<512x256xf32>
    %add3A_385 = arith.constant 2.560000e+02 : f32
    %add3A_386 = vector.broadcast %add3A_385 : f32 to vector<512x256xf32>
    %add3A_387 = arith.addf %slice3A_384, %add3A_386 : vector<512x256xf32>
    %slice3A_388 = vector.extract_strided_slice %select_n3A_379 {offsets = [0, 0], sizes = [512, 256], strides = [1, 1]} : vector<512x512xf32> to vector<512x256xf32>
    %select_n3A_389 = arith.select %lt3A_383, %add3A_387, %slice3A_388 : vector<512x256xi1>, vector<512x256xf32>
    %min3A_390 = arith.minimumf %slice3A_381, %slice3A_382 : vector<512x256xf32>
    %slice3A_391 = vector.extract_strided_slice %min3A_390 {offsets = [0, 0], sizes = [512, 128], strides = [1, 1]} : vector<512x256xf32> to vector<512x128xf32>
    %slice3A_392 = vector.extract_strided_slice %min3A_390 {offsets = [0, 128], sizes = [512, 128], strides = [1, 1]} : vector<512x256xf32> to vector<512x128xf32>
    %lt3A_393 = arith.cmpf olt, %slice3A_392, %slice3A_391 : vector<512x128xf32>
    %slice3A_394 = vector.extract_strided_slice %select_n3A_389 {offsets = [0, 128], sizes = [512, 128], strides = [1, 1]} : vector<512x256xf32> to vector<512x128xf32>
    %add3A_395 = arith.constant 1.280000e+02 : f32
    %add3A_396 = vector.broadcast %add3A_395 : f32 to vector<512x128xf32>
    %add3A_397 = arith.addf %slice3A_394, %add3A_396 : vector<512x128xf32>
    %slice3A_398 = vector.extract_strided_slice %select_n3A_389 {offsets = [0, 0], sizes = [512, 128], strides = [1, 1]} : vector<512x256xf32> to vector<512x128xf32>
    %select_n3A_399 = arith.select %lt3A_393, %add3A_397, %slice3A_398 : vector<512x128xi1>, vector<512x128xf32>
    %min3A_400 = arith.minimumf %slice3A_391, %slice3A_392 : vector<512x128xf32>
    %add3A_401 = vector.broadcast %convert_element_type3A_14 : f32 to vector<512x128xf32>
    %add3A_402 = arith.addf %select_n3A_399, %add3A_401 : vector<512x128xf32>
    %get3A_403 = arith.constant 3072 : index
    %get3A_404 = arith.constant 0 : index
    %get3A_405 = vector.load %arg6[%get3A_403, %get3A_404] : memref<4096x128xf32, #tpu.memory_space<vmem>>, vector<512x128xf32>
    %lt3A_406 = arith.cmpf olt, %min3A_400, %get3A_405 : vector<512x128xf32>
    %min3A_407 = arith.minimumf %min3A_400, %get3A_405 : vector<512x128xf32>
    %swap3A_408 = arith.constant 3072 : index
    %swap3A_409 = arith.constant 0 : index
    %swap3A_410 = vector.load %arg6[%swap3A_408, %swap3A_409] : memref<4096x128xf32, #tpu.memory_space<vmem>>, vector<512x128xf32>
    tpu.vector_store %arg6[%swap3A_408, %swap3A_409], %min3A_407 {strides = array<i32>} : memref<4096x128xf32, #tpu.memory_space<vmem>>, vector<512x128xf32>,
    %get3A_411 = arith.constant 3072 : index
    %get3A_412 = arith.constant 0 : index
    %get3A_413 = vector.load %arg7[%get3A_411, %get3A_412] : memref<4096x128xf32, #tpu.memory_space<vmem>>, vector<512x128xf32>
    %select_n3A_414 = arith.select %lt3A_406, %add3A_402, %get3A_413 : vector<512x128xi1>, vector<512x128xf32>
    %swap3A_415 = arith.constant 3072 : index
    %swap3A_416 = arith.constant 0 : index
    %swap3A_417 = vector.load %arg7[%swap3A_415, %swap3A_416] : memref<4096x128xf32, #tpu.memory_space<vmem>>, vector<512x128xf32>
    tpu.vector_store %arg7[%swap3A_415, %swap3A_416], %select_n3A_414 {strides = array<i32>} : memref<4096x128xf32, #tpu.memory_space<vmem>>, vector<512x128xf32>,
    %get3A_418 = arith.constant 3584 : index
    %get3A_419 = arith.constant 0 : index
    %get3A_420 = vector.load %arg10[%get3A_418, %get3A_419] : memref<4096x256xf32, #tpu.memory_space<vmem>>, vector<512x256xf32>
    %dot_general3A_421 = arith.constant dense<0.000000e+00> : vector<512x1024xf32>
    %dot_general3A_422 = tpu.matmul %get3A_420, %get3A_1, %dot_general3A_421 {dimension_numbers = #tpu.dot_dimension_numbers<[1], [1], [0], [0], [0, 0, 1, 0], [], []>, transpose_lhs_hint = false} : vector<512x256xf32>, vector<1024x256xf32>, vector<512x1024xf32> -> vector<512x1024xf32>
    %get3A_423 = arith.constant 3584 : index
    %get3A_424 = arith.constant 0 : index
    %get3A_425 = vector.load %arg8[%get3A_423, %get3A_424] : memref<4096x1xf32, #tpu.memory_space<vmem>>, vector<512x1xf32>
    %broadcast_in_dim3A_426 = vector.shape_cast %get3A_12 : vector<1024xf32> to vector<1x1024xf32>
    %add3A_427 = vector.broadcast %get3A_425 : vector<512x1xf32> to vector<512x1024xf32>
    %add3A_428 = vector.broadcast %broadcast_in_dim3A_426 : vector<1x1024xf32> to vector<512x1024xf32>
    %add3A_429 = arith.addf %add3A_427, %add3A_428 : vector<512x1024xf32>
    %sub3A_430 = arith.subf %add3A_429, %dot_general3A_422 : vector<512x1024xf32>
    %slice3A_431 = vector.extract_strided_slice %sub3A_430 {offsets = [0, 0], sizes = [512, 512], strides = [1, 1]} : vector<512x1024xf32> to vector<512x512xf32>
    %slice3A_432 = vector.extract_strided_slice %sub3A_430 {offsets = [0, 512], sizes = [512, 512], strides = [1, 1]} : vector<512x1024xf32> to vector<512x512xf32>
    %lt3A_433 = arith.cmpf olt, %slice3A_432, %slice3A_431 : vector<512x512xf32>
    %jit3A_434 = arith.constant 5.120000e+02 : f32
    %jit3A_435 = arith.constant 0.000000e+00 : f32
    %broadcast_in_dim3A_436 = vector.broadcast %jit3A_434 : f32 to vector<512x512xf32>
    %broadcast_in_dim3A_437 = vector.broadcast %jit3A_435 : f32 to vector<512x512xf32>
    %select_n3A_438 = arith.select %lt3A_433, %broadcast_in_dim3A_436, %broadcast_in_dim3A_437 : vector<512x512xi1>, vector<512x512xf32>
    %min3A_439 = arith.minimumf %slice3A_431, %slice3A_432 : vector<512x512xf32>
    %slice3A_440 = vector.extract_strided_slice %min3A_439 {offsets = [0, 0], sizes = [512, 256], strides = [1, 1]} : vector<512x512xf32> to vector<512x256xf32>
    %slice3A_441 = vector.extract_strided_slice %min3A_439 {offsets = [0, 256], sizes = [512, 256], strides = [1, 1]} : vector<512x512xf32> to vector<512x256xf32>
    %lt3A_442 = arith.cmpf olt, %slice3A_441, %slice3A_440 : vector<512x256xf32>
    %slice3A_443 = vector.extract_strided_slice %select_n3A_438 {offsets = [0, 256], sizes = [512, 256], strides = [1, 1]} : vector<512x512xf32> to vector<512x256xf32>
    %add3A_444 = arith.constant 2.560000e+02 : f32
    %add3A_445 = vector.broadcast %add3A_444 : f32 to vector<512x256xf32>
    %add3A_446 = arith.addf %slice3A_443, %add3A_445 : vector<512x256xf32>
    %slice3A_447 = vector.extract_strided_slice %select_n3A_438 {offsets = [0, 0], sizes = [512, 256], strides = [1, 1]} : vector<512x512xf32> to vector<512x256xf32>
    %select_n3A_448 = arith.select %lt3A_442, %add3A_446, %slice3A_447 : vector<512x256xi1>, vector<512x256xf32>
    %min3A_449 = arith.minimumf %slice3A_440, %slice3A_441 : vector<512x256xf32>
    %slice3A_450 = vector.extract_strided_slice %min3A_449 {offsets = [0, 0], sizes = [512, 128], strides = [1, 1]} : vector<512x256xf32> to vector<512x128xf32>
    %slice3A_451 = vector.extract_strided_slice %min3A_449 {offsets = [0, 128], sizes = [512, 128], strides = [1, 1]} : vector<512x256xf32> to vector<512x128xf32>
    %lt3A_452 = arith.cmpf olt, %slice3A_451, %slice3A_450 : vector<512x128xf32>
    %slice3A_453 = vector.extract_strided_slice %select_n3A_448 {offsets = [0, 128], sizes = [512, 128], strides = [1, 1]} : vector<512x256xf32> to vector<512x128xf32>
    %add3A_454 = arith.constant 1.280000e+02 : f32
    %add3A_455 = vector.broadcast %add3A_454 : f32 to vector<512x128xf32>
    %add3A_456 = arith.addf %slice3A_453, %add3A_455 : vector<512x128xf32>
    %slice3A_457 = vector.extract_strided_slice %select_n3A_448 {offsets = [0, 0], sizes = [512, 128], strides = [1, 1]} : vector<512x256xf32> to vector<512x128xf32>
    %select_n3A_458 = arith.select %lt3A_452, %add3A_456, %slice3A_457 : vector<512x128xi1>, vector<512x128xf32>
    %min3A_459 = arith.minimumf %slice3A_450, %slice3A_451 : vector<512x128xf32>
    %add3A_460 = vector.broadcast %convert_element_type3A_14 : f32 to vector<512x128xf32>
    %add3A_461 = arith.addf %select_n3A_458, %add3A_460 : vector<512x128xf32>
    %get3A_462 = arith.constant 3584 : index
    %get3A_463 = arith.constant 0 : index
    %get3A_464 = vector.load %arg6[%get3A_462, %get3A_463] : memref<4096x128xf32, #tpu.memory_space<vmem>>, vector<512x128xf32>
    %lt3A_465 = arith.cmpf olt, %min3A_459, %get3A_464 : vector<512x128xf32>
    %min3A_466 = arith.minimumf %min3A_459, %get3A_464 : vector<512x128xf32>
    %swap3A_467 = arith.constant 3584 : index
    %swap3A_468 = arith.constant 0 : index
    %swap3A_469 = vector.load %arg6[%swap3A_467, %swap3A_468] : memref<4096x128xf32, #tpu.memory_space<vmem>>, vector<512x128xf32>
    tpu.vector_store %arg6[%swap3A_467, %swap3A_468], %min3A_466 {strides = array<i32>} : memref<4096x128xf32, #tpu.memory_space<vmem>>, vector<512x128xf32>,
    %get3A_470 = arith.constant 3584 : index
    %get3A_471 = arith.constant 0 : index
    %get3A_472 = vector.load %arg7[%get3A_470, %get3A_471] : memref<4096x128xf32, #tpu.memory_space<vmem>>, vector<512x128xf32>
    %select_n3A_473 = arith.select %lt3A_465, %add3A_461, %get3A_472 : vector<512x128xi1>, vector<512x128xf32>
    %swap3A_474 = arith.constant 3584 : index
    %swap3A_475 = arith.constant 0 : index
    %swap3A_476 = vector.load %arg7[%swap3A_474, %swap3A_475] : memref<4096x128xf32, #tpu.memory_space<vmem>>, vector<512x128xf32>
    tpu.vector_store %arg7[%swap3A_474, %swap3A_475], %select_n3A_473 {strides = array<i32>} : memref<4096x128xf32, #tpu.memory_space<vmem>>, vector<512x128xf32>,
    %eq3A_477 = arith.constant 7 : i32
    %eq3A_478 = arith.cmpi eq, %arg1, %eq3A_477 : i32
    %convert_element_type3A_479 = arith.extui %eq3A_478 : i1 to i32
    %cond3A_480 = arith.constant 0 : i32
    %cond3A_481 = arith.cmpi ne, %convert_element_type3A_479, %cond3A_480 : i32
    scf.if %cond3A_481 {
      %get3A_482 = arith.constant 0 : index
      %get3A_483 = arith.constant 0 : index
      %get3A_484 = vector.load %arg6[%get3A_482, %get3A_483] : memref<4096x128xf32, #tpu.memory_space<vmem>>, vector<4096x128xf32>
      %reduce_min3A = arith.constant dense<0x7F800000> : vector<4096xf32>
      %reduce_min3A_485 = vector.multi_reduction <minimumf>, %get3A_484, %reduce_min3A [1] : vector<4096x128xf32> to vector<4096xf32>
      %get3A_486 = arith.constant 0 : index
      %get3A_487 = arith.constant 0 : index
      %get3A_488 = vector.load %arg7[%get3A_486, %get3A_487] : memref<4096x128xf32, #tpu.memory_space<vmem>>, vector<4096x128xf32>
      %iota3A = tpu.iota {dimensions = array<i32: 1>} : vector<4096x128xi32>
      %convert_element_type3A_489 = arith.sitofp %iota3A : vector<4096x128xi32> to vector<4096x128xf32>
      %add3A_490 = arith.addf %get3A_488, %convert_element_type3A_489 : vector<4096x128xf32>
      %broadcast_in_dim3A_491 = vector.shape_cast %reduce_min3A_485 : vector<4096xf32> to vector<4096x1xf32>
      %eq3A_492 = vector.broadcast %broadcast_in_dim3A_491 : vector<4096x1xf32> to vector<4096x128xf32>
      %eq3A_493 = arith.cmpf oeq, %get3A_484, %eq3A_492 : vector<4096x128xf32>
      %jit3A_494 = arith.constant 1.07374182E+9 : f32
      %broadcast_in_dim3A_495 = vector.broadcast %jit3A_494 : f32 to vector<4096x128xf32>
      %select_n3A_496 = arith.select %eq3A_493, %add3A_490, %broadcast_in_dim3A_495 : vector<4096x128xi1>, vector<4096x128xf32>
      %reduce_min3A_497 = arith.constant dense<0x7F800000> : vector<4096xf32>
      %reduce_min3A_498 = vector.multi_reduction <minimumf>, %select_n3A_496, %reduce_min3A_497 [1] : vector<4096x128xf32> to vector<4096xf32>
      %broadcast_in_dim3A_499 = vector.shape_cast %reduce_min3A_498 : vector<4096xf32> to vector<4096x1xf32>
      %convert_element_type3A_500 = arith.fptosi %broadcast_in_dim3A_499 : vector<4096x1xf32> to vector<4096x1xi32>
      %swap3A_501 = arith.constant 0 : index
      %swap3A_502 = arith.constant 0 : index
      %swap3A_503 = vector.load %arg4[%swap3A_501, %swap3A_502] : memref<4096x1xi32, #tpu.memory_space<vmem>>, vector<4096x1xi32>
      tpu.vector_store %arg4[%swap3A_501, %swap3A_502], %convert_element_type3A_500 {strides = array<i32>} : memref<4096x1xi32, #tpu.memory_space<vmem>>, vector<4096x1xi32>,
      %reduce_sum3A = vector.shape_cast %reduce_min3A_485 : vector<4096xf32> to vector<1x4096xf32>
      %reduce_sum3A_504 = arith.constant dense<0.000000e+00> : vector<1xf32>
      %reduce_sum3A_505 = vector.multi_reduction <add>, %reduce_sum3A, %reduce_sum3A_504 [1] : vector<1x4096xf32> to vector<1xf32>
      %reduce_sum3A_506 = vector.shape_cast %reduce_sum3A_505 : vector<1xf32> to vector<1x1xf32>
      %reduce_sum3A_507 = vector.extract %reduce_sum3A_506[0, 0] : f32 from vector<1x1xf32>
      %eq3A_508 = arith.constant 0 : i32
      %eq3A_509 = arith.cmpi eq, %arg0, %eq3A_508 : i32
      %get3A_510 = arith.constant 0 : index
      %get3A_511 = arith.constant 0 : index
      %get3A_512 = memref.load %arg5[%get3A_510, %get3A_511] : memref<1x1xf32, #tpu.memory_space<smem>>
      %jit3A_513 = arith.constant 0.000000e+00 : f32
      %select_n3A_514 = arith.select %eq3A_509, %jit3A_513, %get3A_512 : f32
      %add3A_515 = arith.addf %select_n3A_514, %reduce_sum3A_507 : f32
      %swap3A_516 = arith.constant 0 : index
      %swap3A_517 = arith.constant 0 : index
      %swap3A_518 = memref.load %arg5[%swap3A_516, %swap3A_517] : memref<1x1xf32, #tpu.memory_space<smem>>
      memref.store %add3A_515, %arg5[%swap3A_516, %swap3A_517] : memref<1x1xf32, #tpu.memory_space<smem>>
    } else {
    }
    return
  }
  func.func @transform_0(%arg0: i32, %arg1: i32) -> (i32, i32) {
    %c0_i32 = arith.constant 0 : i32
    %c0_i32_0 = arith.constant 0 : i32
    return %arg0, %c0_i32 : i32, i32
  }
  func.func @transform_1(%arg0: i32, %arg1: i32) -> (i32, i32) {
    %c0_i32 = arith.constant 0 : i32
    %c0_i32_0 = arith.constant 0 : i32
    return %arg1, %c0_i32 : i32, i32
  }
  func.func @transform_2(%arg0: i32, %arg1: i32) -> (i32, i32) {
    %c0_i32 = arith.constant 0 : i32
    %c0_i32_0 = arith.constant 0 : i32
    return %arg0, %c0_i32 : i32, i32
  }
  func.func @transform_3(%arg0: i32, %arg1: i32) -> (i32, i32) {
    %c0_i32 = arith.constant 0 : i32
    %c0_i32_0 = arith.constant 0 : i32
    %c0_i32_1 = arith.constant 0 : i32
    return %c0_i32, %c0_i32_0 : i32, i32
  }
}

</mosaic_0001>

<sc_bundles>
// kernel: kernel.4.cloned.1.call-start
scs
__scs_entry_jumppad:
0x0: {  	(pc) =	sbr.rel $0x88, $3  }
0x1: {  	(tag) =	ssettag $0x0;
	lr =	simm.s32 $0x1  }
0x2: {  	[smem:$0x3F9F] =	sst lr;
	_ =	strace $0xD0000000  }
0x3: {  	_ = 	snop  }
0x4: {  	_ = 	snop  }
0x5: {  	_ = 	snop  }
0x6: {  	_ = 	snop  }
0x7: {  	_ = 	snop  }
__scs_overlays_trampoline_lowered:
0x8: {  	[smem:$0x3FAE] =	sst s0  }
0x9: {  	[smem:$0x3FAF] =	sst s1  }
0xa: {  	[smem:$0x3FB0] =	sst s2  }
0xb: {  	[smem:$0x3FB1] =	sst s3  }
0xc: {  	[smem:$0x3FB2] =	sst s4  }
0xd: {  	[smem:$0x3FB3] =	sst s5  }
0xe: {  	[smem:$0x3FB4] =	sst s6  }
0xf: {  	[smem:$0x3FB5] =	sst s7  }
0x10: {  	[smem:$0x3FB6] =	sst s8  }
0x11: {  	[smem:$0x3FB7] =	sst s9;
	s0 =	simm.s32 @!p0 $0x0  }
0x12: {  	s1 =	sld [smem:$0x3F9D];
	s0 =	simm.s32 @p0 $0x1  }
0x13: {  	[smem:$0x3FB8] =	sst s0;
	s0 =	simm.s32 @!p1 $0x0  }
0x14: {  	s2 =	sld [smem:$0x3F9C];
	s0 =	simm.s32 @p1 $0x1  }
0x15: {  	[smem:$0x3FB9] =	sst s0;
	s0 =	simm.s32 @!p2 $0x0  }
0x16: {  	s3 =	sld [smem:$0x3FDB];
	s0 =	simm.s32 @p2 $0x1  }
0x17: {  	s4 =	simm.s32 $0x1BF5;
	[smem:$0x3FBB] =	sst s0  }
0x18: {  	s0 =	sld [smem:$0x3F9E];
	_ =	swait.ge [sflag:s4], $0x0  }
0x19: {  	s7 =	sld [smem:$0x3F9F]  }
0x1a: {  	s8 =	sadd.s32 $0xFFFFE003, lr  }
0x1b: {  	s9 =	sadd.s32 $0xFFFFFEF7, lr;
	s5 =	simm.s32 $0xFFFFFFFF;
	p2 =	slt.u32 s8, $0xFFFFF086  }
0x1c: {  	p1 =	slt.u32 s9, $0xF7A;
	s5 =	simm.s32 @!p2 $0x0  }
0x1d: {  	s5 =	simm.s32 @p1 $0x1;
	p0 =	seq.s32 s7, s2  }
0x1e: {  	s7 =	smul.u32 @!p0 $0xF7A, s2;
	p2 =	seq.s32 @!p0 s5, $0x0  }
0x1f: {  	s9 =	smul.u32 $0xF7A, s1;
	s8 =	simm.s32 @!p0 $0x1BF5;
	p2 =	por !p2, p0  }
0x20: {  	[sflag:s8] =	ssyncset.s32 @!p0 $0xFFFFF086;
	s6 =	sadd.s32 @!p0 s3, s7;
	s7 =	simm.s32 @!p0 $0x108  }
0x21: {  	s3 =	sadd.s32 s3, s9;
	s6 =	sadd.s32 @!p0 $0x88, s6;
	s7 =	simm.s32 @p2 $0x1082  }
0x22: {  	[simem:s7], [sflag:s8] =	dma.local @!p0 [hbm:s6], $0xF7A  }
0x23: {  	s9 =	sor.u32 $0xD0000000, s2;
	s6 =	simm.s32 $0x108;
	_ =	swait.ge @!p0 [sflag:s8], $0x0  }
0x24: {  	s3 =	sadd.s32 $0x88, s3;
	s6 =	simm.s32 @!p1 $0x1082;
	[sflag:s4] =	ssyncset.s32 $0xFFFFF086  }
0x25: {  	[simem:s6], [sflag:s4] =	dma.local [hbm:s3], $0xF7A  }
0x26: {  	[smem:$0x3F9F] =	sst s1;
	(tag) =	ssettag s2;
	_ =	strace s9  }
0x27: {  	s1 =	sld [smem:$0x3FAF]  }
0x28: {  	s2 =	sld [smem:$0x3FB0]  }
0x29: {  	s4 =	sld [smem:$0x3FB2]  }
0x2a: {  	p0 =	seq.s32 s5, $0x0;
	s5 =	sld [smem:$0x3FB3]  }
0x2b: {  	s6 =	sld [smem:$0x3FB4]  }
0x2c: {  	s7 =	sld [smem:$0x3FB5]  }
0x2d: {  	s3 =	simm.s32 $0x108;
	s8 =	sld [smem:$0x3FB6]  }
0x2e: {  	s3 =	simm.s32 @!p0 $0x1082;
	s9 =	sld [smem:$0x3FB7]  }
0x2f: {  	lr =	sadd.s32 s0, s3;
	s0 =	sld [smem:$0x3FAE]  }
0x30: {  	s3 =	sld [smem:$0x3FB1]  }
0x31: {  	[smem:$0x3FBA] =	sst s10  }
0x32: {  	s10 =	sld [smem:$0x3FB8];
	_ =	sdelay $0x3  }
0x33: {  	p0 =	seq.s32 s10, $0x1;
	s10 =	sld [smem:$0x3FBA];
	_ =	sdelay $0x3  }
0x34: {  	[smem:$0x3FBA] =	sst s10  }
0x35: {  	s10 =	sld [smem:$0x3FB9];
	_ =	sdelay $0x3  }
0x36: {  	p1 =	seq.s32 s10, $0x1;
	s10 =	sld [smem:$0x3FBA];
	_ =	sdelay $0x3  }
0x37: {  	[smem:$0x3FBA] =	sst s10  }
0x38: {  	s10 =	sld [smem:$0x3FBB]  }
0x39: {  	_ = 	snop;
	(pc) =	sbr.ind lr, $3  }
0x3a: {  	_ = 	snop  }
0x3b: {  	_ = 	snop  }
0x3c: {  	p2 =	seq.s32 s10, $0x1;
	s10 =	sld [smem:$0x3FBA]  }
0x3d: {  	_ =	shalt  }
0x3e: {  	_ =	shalt  }
0x3f: {  	_ =	shalt  }
0x40: {  	_ =	shalt  }
0x41: {  	_ =	shalt  }
0x42: {  	_ =	shalt  }
0x43: {  	_ =	shalt  }
0x44: {  	_ =	shalt  }
0x45: {  	_ =	shalt  }
0x46: {  	_ =	shalt  }
0x47: {  	_ =	shalt  }
0x48: {  	_ =	shalt  }
0x49: {  	_ =	shalt  }
0x4a: {  	_ =	shalt  }
0x4b: {  	_ =	shalt  }
0x4c: {  	_ =	shalt  }
0x4d: {  	_ =	shalt  }
0x4e: {  	_ =	shalt  }
0x4f: {  	_ =	shalt  }
0x50: {  	_ =	shalt  }
0x51: {  	_ =	shalt  }
0x52: {  	_ =	shalt  }
0x53: {  	_ =	shalt  }
0x54: {  	_ =	shalt  }
0x55: {  	_ =	shalt  }
0x56: {  	_ =	shalt  }
0x57: {  	_ =	shalt  }
0x58: {  	_ =	shalt  }
0x59: {  	_ =	shalt  }
0x5a: {  	_ =	shalt  }
0x5b: {  	_ =	shalt  }
0x5c: {  	_ =	shalt  }
0x5d: {  	_ =	shalt  }
0x5e: {  	_ =	shalt  }
0x5f: {  	_ =	shalt  }
0x60: {  	_ =	shalt  }
0x61: {  	_ =	shalt  }
0x62: {  	_ =	shalt  }
0x63: {  	_ =	shalt  }
0x64: {  	_ =	shalt  }
0x65: {  	_ =	shalt  }
0x66: {  	_ =	shalt  }
0x67: {  	_ =	shalt  }
0x68: {  	_ =	shalt  }
0x69: {  	_ =	shalt  }
0x6a: {  	_ =	shalt  }
0x6b: {  	_ =	shalt  }
0x6c: {  	_ =	shalt  }
0x6d: {  	_ =	shalt  }
0x6e: {  	_ =	shalt  }
0x6f: {  	_ =	shalt  }
0x70: {  	_ =	shalt  }
0x71: {  	_ =	shalt  }
0x72: {  	_ =	shalt  }
0x73: {  	_ =	shalt  }
0x74: {  	_ =	shalt  }
0x75: {  	_ =	shalt  }
0x76: {  	_ =	shalt  }
0x77: {  	_ =	shalt  }
0x78: {  	_ =	shalt  }
0x79: {  	_ =	shalt  }
0x7a: {  	_ =	shalt  }
0x7b: {  	_ =	shalt  }
0x7c: {  	_ =	shalt  }
0x7d: {  	_ =	shalt  }
0x7e: {  	_ =	shalt  }
0x7f: {  	_ =	shalt  }
0x80: {  	_ =	shalt  }
0x81: {  	_ =	shalt  }
0x82: {  	_ =	shalt  }
0x83: {  	_ =	shalt  }
0x84: {  	_ =	shalt  }
0x85: {  	_ =	shalt  }
0x86: {  	_ =	shalt  }
0x87: {  	_ =	shalt  }
.Lfunc_end0:
.L_simem_size_0:
called_computation_lowered:
.L_overlay_start_0:
0x88: {  	s2 =	sld [smem:$0x3FD9]  }
0x89: {  	s3 =	sld [smem:$0x3FFE];
	_ =	sdelay $0x1  }
0x8a: {  	s1 =	srdreg.scid  }
0x8b: {  	s0 =	sand.u32 $0x1, s1  }
0x8c: {  	s14 =	sshll.u32 s0, $0xA;
	s2 =	sadd.s32 s3, s2  }
0x8d: {  	s2 =	sadd.s32 s2, s14  }
0x8e: {  	[smem:$0x3FC6] =	sst s2  }
0x8f: {  	_ = 	snop  }
0x90: {  	s2 =	sld [smem:$0x3FD0];
	_ =	sdelay $0x2  }
0x91: {  	s4 =	simm.s32 $0xA;
	s5 =	simm.s32 $0x10;
	s15 =	sld [smem:$0x3FC8]  }
0x92: {  	[smem:s5], [sflag:s4] =	dma.local [hbm:s2], $0x1  }
0x93: {  	_ =	swait.eq [sflag:s4], $0x1  }
0x94: {  	[sflag:s4] =	ssyncset.done $0x0  }
0x95: {  	[sflag:s4] =	ssyncadd.s32 $0xFFFFFFFF  }
0x96: {  	s16 =	sld [smem:$0x10];
	(tm) =	ssettm $0x1  }
0x97: {  	s17 =	sld [smem:$0x3FFB];
	_ =	sdelay $0x3  }
0x98: {  	_ =	strace s17  }
0x99: {  	s4 =	sld [smem:$0x3FFC];
	_ =	sdelay $0x3  }
0x9a: {  	_ =	strace s4  }
0x9b: {  	s4 =	sld [smem:$0x3FFD];
	_ =	sdelay $0x3  }
0x9c: {  	_ =	strace s4  }
0x9d: {  	_ =	strace $0x8FFFFFFF  }
0x9e: {  	s18 =	sld [smem:$0x3FDB];
	_ =	sdelay $0x1  }
0x9f: {  	s19 =	simm.s32 $_scs_section_size  }
0xa0: {  	s6 =	simm.s32 $_size__tile_overlayer_lowered;
	s7 =	simm.s32 $_tile_overlayer_lowered  }
0xa1: {  	s22 =	simm.s32 $0x1BFF;
	s21 =	sshll.u32 s7, $0x1;
	s4 =	sadd.s32 s19, s18  }
0xa2: {  	s8 =	simm.s32 $0x0;
	s20 =	sshll.u32 s6, $0x1;
	s6 =	sadd.s32 s21, s4  }
0xa3: {  	[timem:s8], [sflag:s22] =	dma.local [hbm:s6], s20  }
0xa4: {  	_ =	swait.ge [sflag:s22], s20  }
0xa5: {  	s5 =	ssub.s32 $0x0, s20;
	[sflag:s22] =	ssyncset.done $0x0  }
0xa6: {  	[sflag:s22] =	ssyncadd.s32 s5;
	_ =	sdelay $0x1  }
0xa7: {  	s23 =	simm.s32 $0x1B8B  }
0xa8: {  	_ =	swait.ge [sflag:s23], $0x1  }
0xa9: {  	[sflag:s23] =	ssyncset.done $0x0  }
0xaa: {  	s25 =	simm.s32 $0x1B8E;
	s24 =	sld [smem:$0x3FFE];
	[sflag:s23] =	ssyncadd.s32 $0xFFFFFFFF  }
0xab: {  	s26 =	simm.s32 $execute0_lowered;
	[smem:$0x3FD2] =	sst s25  }
0xac: {  	s6 =	sshll.u32 s26, $0x1;
	_ =	strace $0x80000046;
	[dreg:$0x1] =	wrdreg $0xFFFFFFFF  }
0xad: {  	s28 =	simm.s32 $_size_execute0_lowered;
	s4 =	sadd.s32 s4, s6;
	[dreg:$0x0] =	wrdreg $0x0  }
0xae: {  	s6 =	sshll.u32 s28, $0x1;
	[dreg:$0x2] =	wrdreg s4  }
0xaf: {  	[dreg:$0x3] =	wrdreg s6  }
0xb0: {  	[dreg:$0x4] =	wrdreg $0xC0  }
0xb1: {  	_ =	task [dreg:s8], $0x5FFFF  }
0xb2: {  	[dreg:$0x1] =	wrdreg $0xFFFFFFFF  }
0xb3: {  	[dreg:$0x0] =	wrdreg $0x60  }
0xb4: {  	[dreg:$0x2] =	wrdreg s15  }
0xb5: {  	[dreg:$0x3] =	wrdreg s24  }
0xb6: {  	[dreg:$0x4] =	wrdreg s16  }
0xb7: {  	[dreg:$0x5] =	wrdreg $0x9  }
0xb8: {  	_ =	task.clear_ibuf [dreg:s8], $0x6FFFF;
	_ =	strace $0x90000046  }
0xb9: {  	s29 =	simm.s32 $0x9;
	_ =	strace $0x8000004D  }
0xba: {  	_ =	swait.ge [sflag:s29], $0x1  }
0xbb: {  	[sflag:s29] =	ssyncadd.s32 $0xFFFFFFFF  }
0xbc: {  	_ =	strace $0x9000004D  }
0xbd: {  	_ =	sfence  }
0xbe: {  	s30 =	sld [smem:$0x0];
	_ =	sdelay $0x2  }
0xbf: {  	s31 =	sshll.u32 s1, $0xD;
	s1 =	sshrl.u32 s1, $0x2  }
0xc0: {  	s3 =	sand.u32 $0x4000, s31;
	s1 =	sadd.s32 s1, s30  }
0xc1: {  	s0 =	sor.u32 s3, s0;
	s1 =	sshll.u32 s1, $0x11  }
0xc2: {  	s0 =	sor.u32 s1, s0  }
0xc3: {  	s0 =	sadd.s32 $0x8F2B, s0  }
0xc4: {  	[sflag:s0] =	ssyncadd.remote.s32 $0x1  }
0xc5: {  	_ =	sfence.sel $0xFFFF  }
0xc6: {  	[dreg:$0x0] =	wrdreg $0xFFFFFFFF;
	(pc) =	sbr.abs _section_cstart, $3  }
0xc7: {  	[dreg:$0x1] =	wrdreg $0xFFFFFFFF  }
0xc8: {  	_ =	task.clear_ibuf [dreg:s8], $0x2FFFF;
	_ =	strace $0x9FFFFFFF  }
0xc9: {  	(tm) =	ssettm $0x7FFFFFFF  }
tec
execute0_lowered:
.L_overlay_start_1:
0x0: {  	(tag) =	ssettag $0x1  }
0x1: {  	s1 =	rddreg [dreg:$0x0]  }
0x2: {  	s2 =	srdreg.scid;
	s4 =	rddreg [dreg:$0x1]  }
0x3: {  	s0 =	stileid.u32;
	s6 =	rddreg [dreg:$0x2]  }
0x4: {  	s3 =	simm.s32 $0x0;
	s9 =	simm.s32 $0x900;
	s10 =	simm.s32 $0x1100  }
0x5: {  	s11 =	simm.s32 $0x1900;
	s12 =	simm.s32 $0x2100;
	s13 =	simm.s32 $0x2900  }
0x6: {  	s14 =	simm.s32 $0x3100;
	s15 =	simm.s32 $0x3900;
	s16 =	simm.s32 $0x4100  }
0x7: {  	s17 =	simm.s32 $0x4900;
	s18 =	simm.s32 $0x5100;
	s19 =	simm.s32 $0x5900  }
0x8: {  	s20 =	simm.s32 $0x6100;
	s21 =	simm.s32 $0x6900;
	s22 =	simm.s32 $0x7100  }
0x9: {  	s23 =	simm.s32 $0x7900;
	s24 =	simm.s32 $0x5;
	s25 =	simm.s32 $0x3  }
0xa: {  	s5 =	sand.u32 $0x1, s2;
	s8 =	sshll.u32 s0, $0x7;
	s2 =	rddreg [dreg:$0x3]  }
0xb: {  	[smem:$0x7FF] =	sst s3;
	s7 =	sshll.u32 s5, $0xB;
	s5 =	ssub.s32 $0x2, s5  }
0xc: {  	_ =	strace $0x80000047;
	s7 =	sor.u32 s8, s7;
	s30 =	sshrl.u32 s5, $0x1  }
0xd: {  	v2 =	vlaneseq.u32;
	s8 =	sshrl.u32 s7, $0x3;
	s31 =	sshll.u32 s7, $0x5;
	s7 =	simm.s32 $0x1  }
0xe: {  	vm0 =	vmmov $0xffff;
	v1 =	vshrl.u32 v2, $0x3;
	s4 =	sadd.s32 s8, s4;
	s8 =	ssub.s32 s5, s30;
	s5 =	sadd.s32 s6, s31  }
0xf: {  	v0 =	vand.u32 $0x7, v2;
	v2 =	vor.u32 $0x8, v2;
	v1 =	vmul.u32 $0x8, v1;
	s4 =	sadd.s32 $0x800, s4;
	s6 =	smax.u32 s8, $0x1;
	s8 =	simm.s32 $0x100  }
.LBB2_1:
0x10: {  	_ =	strace $0x80000048  }
0x11: {  	[tilespmem:s3], [sflag:$0x1] =	stream.linear.gather [hbm4b:s4+s3], $0x80, $0x200038;
	[tilespmem:$0x10100] =	vst v63  }
0x12: {  	_ =	strace $0x90000048  }
0x13: {  	_ =	strace $0x80000049  }
0x14: {  	_ =	swait.ge [sflag:s7], $0x80  }
0x15: {  	[sflag:s7] =	ssyncset.done $0x0  }
0x16: {  	[sflag:s7] =	ssyncadd.s32 $0xFFFFFF80  }
0x17: {  	_ =	strace $0x90000049  }
0x18: {  	_ =	strace $0x8000004A  }
0x19: {  	v3 =	vld [tilespmem:$0x0];
	_ =	sdelay $0x4  }
0x1a: {  	v4 =	vshll.u32 v3, $0x1  }
0x1b: {  	v3 =	vand.u32 $0x7, v3;
	v4 =	vand.u32 $0xFFFFFFF0, v4  }
0x1c: {  	v3 =	vor.u32 v3, v4  }
0x1d: {  	v4 =	vperm.xlane v3, v0;
	_ =	sdelay $0x1  }
0x1e: {  	v3 =	vperm.xlane v3, v2;
	v4 =	vadd.s32 v1, v4;
	_ =	sdelay $0x1  }
0x1f: {  	v3 =	vadd.s32 v1, v3;
	_ =	sdelay $0x2  }
0x20: {  	[tilespmem:s8], [sflag:$0x5] =	stream.indirect_vreg.gather [hbm4b:s1+s3], $0x80, v4, vm0, $0x2000b8;
	[tilespmem:$0x10100] =	vst v63  }
0x21: {  	_ = 	snop  }
0x22: {  	[tilespmem:s9], [sflag:$0x5] =	stream.indirect_vreg.gather [hbm4b:s1+s3], $0x80, v3, vm0, $0x2000b8;
	[tilespmem:$0x10100] =	vst v63  }
0x23: {  	v3 =	vld [tilespmem:$0x10];
	_ =	sdelay $0x4  }
0x24: {  	v57 =	vshll.u32 v3, $0x1  }
0x25: {  	v3 =	vand.u32 $0x7, v3;
	v4 =	vand.u32 $0xFFFFFFF0, v57  }
0x26: {  	v3 =	vor.u32 v3, v4  }
0x27: {  	v4 =	vperm.xlane v3, v0;
	_ =	sdelay $0x1  }
0x28: {  	v3 =	vperm.xlane v3, v2;
	v4 =	vadd.s32 v1, v4;
	_ =	sdelay $0x1  }
0x29: {  	v3 =	vadd.s32 v1, v3;
	_ =	sdelay $0x2  }
0x2a: {  	[tilespmem:s10], [sflag:$0x5] =	stream.indirect_vreg.gather [hbm4b:s1+s3], $0x80, v4, vm0, $0x2000b8;
	[tilespmem:$0x10100] =	vst v63  }
0x2b: {  	_ = 	snop  }
0x2c: {  	[tilespmem:s11], [sflag:$0x5] =	stream.indirect_vreg.gather [hbm4b:s1+s3], $0x80, v3, vm0, $0x2000b8;
	[tilespmem:$0x10100] =	vst v63  }
0x2d: {  	v3 =	vld [tilespmem:$0x20];
	_ =	sdelay $0x4  }
0x2e: {  	v58 =	vshll.u32 v3, $0x1  }
0x2f: {  	v3 =	vand.u32 $0x7, v3;
	v4 =	vand.u32 $0xFFFFFFF0, v58  }
0x30: {  	v3 =	vor.u32 v3, v4  }
0x31: {  	v4 =	vperm.xlane v3, v0;
	_ =	sdelay $0x1  }
0x32: {  	v3 =	vperm.xlane v3, v2;
	v4 =	vadd.s32 v1, v4;
	_ =	sdelay $0x1  }
0x33: {  	v3 =	vadd.s32 v1, v3;
	_ =	sdelay $0x2  }
0x34: {  	[tilespmem:s12], [sflag:$0x5] =	stream.indirect_vreg.gather [hbm4b:s1+s3], $0x80, v4, vm0, $0x2000b8;
	[tilespmem:$0x10100] =	vst v63  }
0x35: {  	_ = 	snop  }
0x36: {  	[tilespmem:s13], [sflag:$0x5] =	stream.indirect_vreg.gather [hbm4b:s1+s3], $0x80, v3, vm0, $0x2000b8;
	[tilespmem:$0x10100] =	vst v63  }
0x37: {  	v3 =	vld [tilespmem:$0x30];
	_ =	sdelay $0x4  }
0x38: {  	v59 =	vshll.u32 v3, $0x1  }
0x39: {  	v3 =	vand.u32 $0x7, v3;
	v4 =	vand.u32 $0xFFFFFFF0, v59  }
0x3a: {  	v3 =	vor.u32 v3, v4  }
0x3b: {  	v4 =	vperm.xlane v3, v0;
	_ =	sdelay $0x1  }
0x3c: {  	v3 =	vperm.xlane v3, v2;
	v4 =	vadd.s32 v1, v4;
	_ =	sdelay $0x1  }
0x3d: {  	v3 =	vadd.s32 v1, v3;
	_ =	sdelay $0x2  }
0x3e: {  	[tilespmem:s14], [sflag:$0x5] =	stream.indirect_vreg.gather [hbm4b:s1+s3], $0x80, v4, vm0, $0x2000b8;
	[tilespmem:$0x10100] =	vst v63  }
0x3f: {  	_ = 	snop  }
0x40: {  	[tilespmem:s15], [sflag:$0x5] =	stream.indirect_vreg.gather [hbm4b:s1+s3], $0x80, v3, vm0, $0x2000b8;
	[tilespmem:$0x10100] =	vst v63  }
0x41: {  	v3 =	vld [tilespmem:$0x40];
	_ =	sdelay $0x4  }
0x42: {  	v60 =	vshll.u32 v3, $0x1  }
0x43: {  	v3 =	vand.u32 $0x7, v3;
	v4 =	vand.u32 $0xFFFFFFF0, v60  }
0x44: {  	v3 =	vor.u32 v3, v4  }
0x45: {  	v4 =	vperm.xlane v3, v0;
	_ =	sdelay $0x1  }
0x46: {  	v3 =	vperm.xlane v3, v2;
	v4 =	vadd.s32 v1, v4;
	_ =	sdelay $0x1  }
0x47: {  	v3 =	vadd.s32 v1, v3;
	_ =	sdelay $0x2  }
0x48: {  	[tilespmem:s16], [sflag:$0x5] =	stream.indirect_vreg.gather [hbm4b:s1+s3], $0x80, v4, vm0, $0x2000b8;
	[tilespmem:$0x10100] =	vst v63  }
0x49: {  	_ = 	snop  }
0x4a: {  	[tilespmem:s17], [sflag:$0x5] =	stream.indirect_vreg.gather [hbm4b:s1+s3], $0x80, v3, vm0, $0x2000b8;
	[tilespmem:$0x10100] =	vst v63  }
0x4b: {  	v3 =	vld [tilespmem:$0x50];
	_ =	sdelay $0x4  }
0x4c: {  	v61 =	vshll.u32 v3, $0x1  }
0x4d: {  	v3 =	vand.u32 $0x7, v3;
	v4 =	vand.u32 $0xFFFFFFF0, v61  }
0x4e: {  	v3 =	vor.u32 v3, v4  }
0x4f: {  	v4 =	vperm.xlane v3, v0;
	_ =	sdelay $0x1  }
0x50: {  	v3 =	vperm.xlane v3, v2;
	v4 =	vadd.s32 v1, v4;
	_ =	sdelay $0x1  }
0x51: {  	v3 =	vadd.s32 v1, v3;
	_ =	sdelay $0x2  }
0x52: {  	[tilespmem:s18], [sflag:$0x5] =	stream.indirect_vreg.gather [hbm4b:s1+s3], $0x80, v4, vm0, $0x2000b8;
	[tilespmem:$0x10100] =	vst v63  }
0x53: {  	_ = 	snop  }
0x54: {  	[tilespmem:s19], [sflag:$0x5] =	stream.indirect_vreg.gather [hbm4b:s1+s3], $0x80, v3, vm0, $0x2000b8;
	[tilespmem:$0x10100] =	vst v63  }
0x55: {  	v3 =	vld [tilespmem:$0x60];
	_ =	sdelay $0x4  }
0x56: {  	v62 =	vshll.u32 v3, $0x1  }
0x57: {  	v3 =	vand.u32 $0x7, v3;
	v4 =	vand.u32 $0xFFFFFFF0, v62  }
0x58: {  	v3 =	vor.u32 v3, v4  }
0x59: {  	v4 =	vperm.xlane v3, v0;
	_ =	sdelay $0x1  }
0x5a: {  	v3 =	vperm.xlane v3, v2;
	v4 =	vadd.s32 v1, v4;
	_ =	sdelay $0x1  }
0x5b: {  	v3 =	vadd.s32 v1, v3;
	_ =	sdelay $0x2  }
0x5c: {  	[tilespmem:s20], [sflag:$0x5] =	stream.indirect_vreg.gather [hbm4b:s1+s3], $0x80, v4, vm0, $0x2000b8;
	[tilespmem:$0x10100] =	vst v63  }
0x5d: {  	_ = 	snop  }
0x5e: {  	[tilespmem:s21], [sflag:$0x5] =	stream.indirect_vreg.gather [hbm4b:s1+s3], $0x80, v3, vm0, $0x2000b8;
	[tilespmem:$0x10100] =	vst v63  }
0x5f: {  	v3 =	vld [tilespmem:$0x70];
	_ =	sdelay $0x4  }
0x60: {  	v63 =	vshll.u32 v3, $0x1  }
0x61: {  	v3 =	vand.u32 $0x7, v3;
	v4 =	vand.u32 $0xFFFFFFF0, v63  }
0x62: {  	v3 =	vor.u32 v3, v4  }
0x63: {  	v4 =	vperm.xlane v3, v0;
	_ =	sdelay $0x1  }
0x64: {  	v3 =	vperm.xlane v3, v2;
	v4 =	vadd.s32 v1, v4;
	_ =	sdelay $0x1  }
0x65: {  	v3 =	vadd.s32 v1, v3;
	_ =	sdelay $0x2  }
0x66: {  	[tilespmem:s22], [sflag:$0x5] =	stream.indirect_vreg.gather [hbm4b:s1+s3], $0x80, v4, vm0, $0x2000b8;
	[tilespmem:$0x10100] =	vst v63  }
0x67: {  	_ = 	snop  }
0x68: {  	[tilespmem:s23], [sflag:$0x5] =	stream.indirect_vreg.gather [hbm4b:s1+s3], $0x80, v3, vm0, $0x2000b8;
	[tilespmem:$0x10100] =	vst v63  }
0x69: {  	_ =	swait.ge [sflag:s24], $0x8000  }
0x6a: {  	[sflag:s24] =	ssyncset.done $0x0  }
0x6b: {  	[sflag:s24] =	ssyncadd.s32 $0xFFFF8000  }
0x6c: {  	_ =	strace $0x9000004A  }
0x6d: {  	_ =	strace $0x8000004B  }
0x6e: {  	[hbm4b:s5+s3] =	stream.linear.scatter [tilespmem:s8], [sflag:$0x3], $0x8000, $0x200038;
	[tilespmem:$0x10100] =	vst v63  }
0x6f: {  	p0 =	sne.s32 s6, $0x1;
	_ =	strace $0x9000004B  }
.Ltmp0:
0x70: {  	_ =	strace $0x8000004C;
	(pc) =	sbr.rel @p0 .LBB2_1-.Ltmp0, $4  }
0x71: {  	_ =	swait.ge [sflag:s25], $0x8000  }
0x72: {  	[sflag:s25] =	ssyncset.done $0x0  }
0x73: {  	[sflag:s25] =	ssyncadd.s32 $0xFFFF8000  }
0x74: {  	s6 =	sadd.s32 $0xFFFFFFFF, s6;
	_ =	strace $0x9000004C  }
0x75: {  	_ =	sfence.sel $0x180000  }
0x76: {  	[bflag:$0x0] =	sbarrier.arrive $0xFFFF  }
0x77: {  	p0 =	sne.s32 s0, $0x0;
	_ =	strace $0x90000047  }
0x78: {  	s0 =	sadd.s32 @!p0 $0x100000, s2;
	[bflag:$0x2] =	sbarrier.arrive $0xFFFF  }
0x79: {  	[sflag:s0] =	ssyncadd.tile.s32 @!p0 $0x1;
	_ =	shalt  }
.Lfunc_end2:
_tile_overlayer_lowered:
.L_overlay_start_2:
0x7a: {  	(tag) =	ssettag $0x2  }
0x7b: {  	s0 =	rddreg [dreg:$0x0];
	s2 =	stileid.u32  }
0x7c: {  	s1 =	rddreg [dreg:$0x1];
	p0 =	sne.s32 s2, $0x0  }
0x7d: {  	s3 =	rddreg [dreg:$0x2];
	[bflag:$0x3] =	sbarrier.arrive $0xFFFF;
	s2 =	simm.s32 @!p0 $0x1C01  }
0x7e: {  	[timem:s3], [sflag:s2] =	dma.local @!p0 [hbm:s0], s1  }
0x7f: {  	s0 =	simm.s32 @!p0 $0x1  }
0x80: {  	_ =	swait.ge @!p0 [sflag:s0], s1  }
0x81: {  	s1 =	ssub.s32 @!p0 $0x0, s1;
	[sflag:s0] =	ssyncset.done @!p0 $0x0  }
0x82: {  	[sflag:s0] =	ssyncadd.s32 @!p0 s1  }
0x83: {  	[bflag:$0x3] =	sbarrier.arrive $0xFFFF  }
0x84: {  	_ =	shalt  }

</sc_bundles>
